<compile_context>
chip_gen: v7x
topology: tpu7x:2x2x1
jax: 0.10.2.dev20260603
libtpu: 0.0.44.dev20260713+nightly
codegen_flags: <defaults>
</compile_context>

<pallas_src>
import functools

import jax
import jax.numpy as jnp
from jax import lax
from jax.experimental import pallas as pl
from jax.experimental.pallas import tpu as pltpu
from jax.experimental.pallas import tpu_sc as plsc

N = 10000
E = 640000
D = 128
G = 64
NC = 2

NCORE = 2
NSUB = 16
NW = NCORE * NSUB
EPW = E // NW
K = 80
NCHUNK = EPW // K
NP = 10240
RPS = NP // NSUB

BR = 400
NB = N // BR
BRM = 512
NBM = NP // BRM


def _edge_agg(h, src, dst, zeros):
    mesh = plsc.VectorSubcoreMesh(core_axis_name="c", subcore_axis_name="s")

    @functools.partial(
        pl.kernel,
        out_type=jax.ShapeDtypeStruct((NCORE * NP, D), jnp.float32),
        mesh=mesh,
        scratch_types=[
            pltpu.VMEM((K,), jnp.int32),
            pltpu.VMEM((K,), jnp.int32),
            pltpu.VMEM((K,), jnp.int32),
            pltpu.VMEM((K,), jnp.int32),
            pltpu.VMEM((K, D), jnp.float32),
            pltpu.VMEM((K, D), jnp.float32),
            pltpu.VMEM_SHARED((NP, D), jnp.float32),
            pltpu.SemaphoreType.DMA,
            pltpu.SemaphoreType.DMA,
            pltpu.SemaphoreType.DMA,
            pltpu.SemaphoreType.DMA,
            pltpu.SemaphoreType.DMA,
            pltpu.SemaphoreType.DMA,
        ],
    )
    def k(h_hbm, src_hbm, dst_hbm, z_hbm, out_hbm,
          sidx0, sidx1, didx0, didx1, rows0, rows1, acc,
          g0, g1, s0, s1, i0, i1):
        cid = lax.axis_index("c")
        sid = lax.axis_index("s")
        wid = cid * NSUB + sid
        sidx = (sidx0, sidx1)
        didx = (didx0, didx1)
        rows = (rows0, rows1)
        gsem = (g0, g1)
        ssem = (s0, s1)
        isem = (i0, i1)

        pltpu.sync_copy(z_hbm.at[pl.ds(sid * RPS, RPS)],
                        acc.at[pl.ds(sid * RPS, RPS)])
        plsc.subcore_barrier()

        base = wid * EPW

        def src_idx_start(c, p):
            pltpu.async_copy(src_hbm.at[pl.ds(base + c * K, K)], sidx[p],
                             isem[p])

        def dst_idx_start(c, p):
            pltpu.async_copy(dst_hbm.at[pl.ds(base + c * K, K)], didx[p],
                             isem[p])

        def idx_wait(p):
            pltpu.make_async_copy(src_hbm.at[pl.ds(0, K)], sidx[p],
                                  isem[p]).wait()
            pltpu.make_async_copy(dst_hbm.at[pl.ds(0, K)], didx[p],
                                  isem[p]).wait()

        def gather_start(p):
            pltpu.async_copy(h_hbm.at[sidx[p]], rows[p], gsem[p])

        def gather_wait(p):
            pltpu.make_async_copy(z_hbm.at[pl.ds(0, K)], rows[p],
                                  gsem[p]).wait()

        def scatter_start(p):
            pltpu.async_copy(rows[p], acc.at[didx[p]], ssem[p], add=True)

        def scatter_wait(p):
            pltpu.make_async_copy(rows[p], acc.at[didx[p]], ssem[p]).wait()

        src_idx_start(0, 0)
        dst_idx_start(0, 0)
        idx_wait(0)
        gather_start(0)

        def body(c2, _):
            for u in range(2):
                c = 2 * c2 + u
                q = 1 - u

                @pl.when(c + 1 < NCHUNK)
                def _():
                    src_idx_start(c + 1, q)
                    @pl.when(c >= 1)
                    def _():
                        scatter_wait(q)
                    dst_idx_start(c + 1, q)
                    idx_wait(q)
                    gather_start(q)

                gather_wait(u)
                scatter_start(u)
            return 0

        lax.fori_loop(0, NCHUNK // 2, body, 0)
        scatter_wait(0)
        scatter_wait(1)
        plsc.subcore_barrier()
        pltpu.sync_copy(acc.at[pl.ds(sid * RPS, RPS)],
                        out_hbm.at[pl.ds(cid * NP + sid * RPS, RPS)])

    return k(h, src, dst, zeros)


def _mlp_layer(x, parts, Wa, ba, Wb, bb):

    def body(x_ref, p0_ref, p1_ref, wa_ref, ba_ref, wb_ref, bb_ref, o_ref):
        m = x_ref[...] + p0_ref[...] + p1_ref[...]
        t = jnp.maximum(
            jnp.dot(m, wa_ref[...], preferred_element_type=jnp.float32)
            + ba_ref[...], 0.0)
        o_ref[...] = jnp.maximum(
            jnp.dot(t, wb_ref[...], preferred_element_type=jnp.float32)
            + bb_ref[...], 0.0)

    return pl.pallas_call(
        body,
        grid=(NBM,),
        in_specs=[
            pl.BlockSpec((BRM, D), lambda i: (i, 0)),
            pl.BlockSpec((BRM, D), lambda i: (i, 0)),
            pl.BlockSpec((BRM, D), lambda i: (i + NBM, 0)),
            pl.BlockSpec((D, D), lambda i: (0, 0)),
            pl.BlockSpec((1, D), lambda i: (0, 0)),
            pl.BlockSpec((D, D), lambda i: (0, 0)),
            pl.BlockSpec((1, D), lambda i: (0, 0)),
        ],
        out_specs=pl.BlockSpec((BRM, D), lambda i: (i, 0)),
        out_shape=jax.ShapeDtypeStruct((NP, D), jnp.float32),
    )(x, parts, parts, Wa, ba.reshape(1, D), Wb, bb.reshape(1, D))


def _head(h1, h2, h3, batch3, Wjk, bjk, Wc1, bc1, g1, bt1, Wc2, bc2):
    inv = float((1.0 + 1e-5) ** -0.5)

    def body(h1_ref, h2_ref, h3_ref, b_ref, wjk_ref, bjk_ref, wc1_ref,
             bc1_ref, g1_ref, bt1_ref, wc2_ref, bc2_ref, o_ref, pooled):
        i = pl.program_id(0)

        @pl.when(i == 0)
        def _():
            pooled[...] = jnp.zeros_like(pooled)

        hcat = jnp.concatenate([h1_ref[...], h2_ref[...], h3_ref[...]],
                               axis=-1)
        xo = jnp.dot(hcat, wjk_ref[...],
                     preferred_element_type=jnp.float32) + bjk_ref[...]
        seg = b_ref[0, 0, :]
        onehot = (jax.lax.broadcasted_iota(jnp.int32, (G, BR), 0)
                  == seg[None, :]).astype(jnp.float32)
        pooled[...] += jnp.dot(onehot, xo, preferred_element_type=jnp.float32)

        @pl.when(i == NB - 1)
        def _():
            c = jnp.dot(pooled[...], wc1_ref[...],
                        preferred_element_type=jnp.float32) + bc1_ref[...]
            c = c * inv * g1_ref[...] + bt1_ref[...]
            c = jnp.maximum(c, 0.0)
            o_ref[...] = jnp.dot(c, wc2_ref[...],
                                 preferred_element_type=jnp.float32) + bc2_ref[...]

    return pl.pallas_call(
        body,
        grid=(NB,),
        in_specs=[
            pl.BlockSpec((BR, D), lambda i: (i, 0)),
            pl.BlockSpec((BR, D), lambda i: (i, 0)),
            pl.BlockSpec((BR, D), lambda i: (i, 0)),
            pl.BlockSpec((1, 1, BR), lambda i: (i, 0, 0)),
            pl.BlockSpec((3 * D, D), lambda i: (0, 0)),
            pl.BlockSpec((1, D), lambda i: (0, 0)),
            pl.BlockSpec((D, 2 * D), lambda i: (0, 0)),
            pl.BlockSpec((1, 2 * D), lambda i: (0, 0)),
            pl.BlockSpec((1, 2 * D), lambda i: (0, 0)),
            pl.BlockSpec((1, 2 * D), lambda i: (0, 0)),
            pl.BlockSpec((2 * D, NC), lambda i: (0, 0)),
            pl.BlockSpec((1, NC), lambda i: (0, 0)),
        ],
        out_specs=pl.BlockSpec((G, NC), lambda i: (0, 0)),
        out_shape=jax.ShapeDtypeStruct((G, NC), jnp.float32),
        scratch_shapes=[pltpu.VMEM((G, D), jnp.float32)],
    )(h1, h2, h3, batch3, Wjk, bjk.reshape(1, D), Wc1, bc1.reshape(1, 2 * D),
      g1.reshape(1, 2 * D), bt1.reshape(1, 2 * D), Wc2, bc2.reshape(1, NC))


def kernel(x, edge_index, batch, W1a, b1a, W1b, b1b, W2a, b2a, W2b, b2b,
           W3a, b3a, W3b, b3b, Wjk, bjk, Wc1, bc1, g1, bt1, Wc2, bc2):
    src = edge_index[0]
    dst = edge_index[1]
    zeros = jnp.zeros((NP, D), jnp.float32)
    batch3 = batch.reshape(NB, 1, BR)
    xp = jnp.pad(x, ((0, NP - N), (0, 0)))

    p1 = _edge_agg(xp, src, dst, zeros)
    h1 = _mlp_layer(xp, p1, W1a, b1a, W1b, b1b)
    p2 = _edge_agg(h1, src, dst, zeros)
    h2 = _mlp_layer(h1, p2, W2a, b2a, W2b, b2b)
    p3 = _edge_agg(h2, src, dst, zeros)
    h3 = _mlp_layer(h2, p3, W3a, b3a, W3b, b3b)

    return _head(h1, h2, h3, batch3, Wjk, bjk, Wc1, bc1, g1, bt1, Wc2, bc2)

# --- scband reference (transcript-rebuilt; emitter-appended) ---
"""Pipeline reference for scband-ginmodel-20289425506393 (READ-ONLY COPY).

The authoritative reference and input builder live on the scoring server;
editing this copy changes nothing except your own understanding.
"""

import jax, jax.numpy as jnp
import numpy as np

N = 10000
E = 640000
D = 128
G = 64
NC = 2

def _mlp2(h, Wa, ba, Wb, bb):
    return jnp.maximum(h @ Wa + ba, 0.0) @ Wb + bb

def _gin_layer(x, src, dst, Wa, ba, Wb, bb):
    agg = jax.ops.segment_sum(x[src], dst, num_segments=x.shape[0])
    return _mlp2(x + agg, Wa, ba, Wb, bb)

def setup_inputs(seed: int = 0):
    key = jax.random.key(seed)
    ks = jax.random.split(key, 16)
    s = 0.02
    inp = {}
    inp['x'] = jax.random.normal(ks[0], (N, D), dtype=jnp.float32)
    inp['edge_index'] = jax.random.randint(ks[1], (2, E), 0, N, dtype=jnp.int32)
    inp['batch'] = jnp.sort(jax.random.randint(ks[2], (N,), 0, G, dtype=jnp.int32))
    inp['W1a'] = jax.random.normal(ks[3], (D, D), dtype=jnp.float32) * s
    inp['b1a'] = jnp.zeros((D,), jnp.float32)
    inp['W1b'] = jax.random.normal(ks[4], (D, D), dtype=jnp.float32) * s
    inp['b1b'] = jnp.zeros((D,), jnp.float32)
    inp['W2a'] = jax.random.normal(ks[5], (D, D), dtype=jnp.float32) * s
    inp['b2a'] = jnp.zeros((D,), jnp.float32)
    inp['W2b'] = jax.random.normal(ks[6], (D, D), dtype=jnp.float32) * s
    inp['b2b'] = jnp.zeros((D,), jnp.float32)
    inp['W3a'] = jax.random.normal(ks[7], (D, D), dtype=jnp.float32) * s
    inp['b3a'] = jnp.zeros((D,), jnp.float32)
    inp['W3b'] = jax.random.normal(ks[8], (D, D), dtype=jnp.float32) * s
    inp['b3b'] = jnp.zeros((D,), jnp.float32)
    inp['Wjk'] = jax.random.normal(ks[9], (3 * D, D), dtype=jnp.float32) * s
    inp['bjk'] = jnp.zeros((D,), jnp.float32)
    inp['Wc1'] = jax.random.normal(ks[10], (D, 2 * D), dtype=jnp.float32) * s
    inp['bc1'] = jnp.zeros((2 * D,), jnp.float32)
    inp['g1'] = jnp.ones((2 * D,), jnp.float32)
    inp['bt1'] = jnp.zeros((2 * D,), jnp.float32)
    inp['Wc2'] = jax.random.normal(ks[11], (2 * D, NC), dtype=jnp.float32) * s
    inp['bc2'] = jnp.zeros((NC,), jnp.float32)
    return inp

def reference(x, edge_index, batch, W1a, b1a, W1b, b1b, W2a, b2a, W2b, b2b, W3a, b3a, W3b, b3b, Wjk, bjk, Wc1, bc1, g1, bt1, Wc2, bc2):
    src = edge_index[0]
    dst = edge_index[1]
    # 3-layer GIN (eps=0, no norms), ReLU after each conv, jk='cat' (dropout off in eval)
    h1 = jnp.maximum(_gin_layer(x, src, dst, W1a, b1a, W1b, b1b), 0.0)
    h2 = jnp.maximum(_gin_layer(h1, src, dst, W2a, b2a, W2b, b2b), 0.0)
    h3 = jnp.maximum(_gin_layer(h2, src, dst, W3a, b3a, W3b, b3b), 0.0)
    xo = jnp.concatenate([h1, h2, h3], axis=-1) @ Wjk + bjk
    # global_add_pool
    pooled = jax.ops.segment_sum(xo, batch, num_segments=G)
    # classifier MLP [D, 2D, NC] with batch_norm (eval: running_mean=0, running_var=1)
    c = pooled @ Wc1 + bc1
    c = (c / jnp.sqrt(1.0 + 1e-5)) * g1 + bt1
    c = jnp.maximum(c, 0.0)
    return c @ Wc2 + bc2

if __name__ == "__main__":
    import jax
    _d = setup_inputs()
    print(jax.jit(kernel)(*tuple(_d.values())))

</pallas_src>

<mosaic_0001>
#map = affine_map<(d0, d1) -> (0, 0)>
#map1 = affine_map<(d0, d1) -> (0)>
module attributes {stable_mosaic.version = 14 : i64} {
  func.func @k(%arg0: i32, %arg1: i32, %arg2: memref<10240x128xf32, #tpu.memory_space<hbm>>, %arg3: memref<640000xi32, #tpu.memory_space<hbm>>, %arg4: memref<640000xi32, #tpu.memory_space<hbm>>, %arg5: memref<10240x128xf32, #tpu.memory_space<hbm>>, %arg6: memref<20480x128xf32, #tpu.memory_space<hbm>>, %arg7: memref<80xi32, #tpu.memory_space<vmem>>, %arg8: memref<80xi32, #tpu.memory_space<vmem>>, %arg9: memref<80xi32, #tpu.memory_space<vmem>>, %arg10: memref<80xi32, #tpu.memory_space<vmem>>, %arg11: memref<80x128xf32, #tpu.memory_space<vmem>>, %arg12: memref<80x128xf32, #tpu.memory_space<vmem>>, %arg13: memref<10240x128xf32, #tpu.memory_space<vmem_shared>>, %arg14: memref<!tpu.dma_semaphore, #tpu.memory_space<semaphore_mem>>, %arg15: memref<!tpu.dma_semaphore, #tpu.memory_space<semaphore_mem>>, %arg16: memref<!tpu.dma_semaphore, #tpu.memory_space<semaphore_mem>>, %arg17: memref<!tpu.dma_semaphore, #tpu.memory_space<semaphore_mem>>, %arg18: memref<!tpu.dma_semaphore, #tpu.memory_space<semaphore_mem>>, %arg19: memref<!tpu.dma_semaphore, #tpu.memory_space<semaphore_mem>>) attributes {dimension_semantics = [#tpu.dimension_semantics<core_parallel>, #tpu.dimension_semantics<subcore_parallel>], iteration_bounds = array<i64: 2, 16>, scalar_prefetch = 0 : i64, scratch_operands = 13 : i64, tpu.core_type = #tpu.core_type<sc_vector_subcore>, window_params = [{transform_indices = #map}, {transform_indices = #map1}, {transform_indices = #map1}, {transform_indices = #map}, {transform_indices = #map}]} {
    %mul3A = arith.constant 16 : i32
    %mul3A_0 = arith.muli %arg0, %mul3A : i32
    %add3A = arith.addi %mul3A_0, %arg1 : i32
    %mul3A_1 = arith.constant 640 : i32
    %mul3A_2 = arith.muli %arg1, %mul3A_1 : i32
    %mul3A_3 = arith.constant 640 : i32
    %mul3A_4 = arith.muli %arg1, %mul3A_3 : i32
    "tpu.region"() ({
      %run_scoped3A = tpu.sem_alloc : memref<!tpu.dma_semaphore, #tpu.memory_space<semaphore_mem>>
      %dma_start3A_44 = arith.constant 0 : i32
      %dma_start3A_45 = tpu.memref_slice %arg13[%mul3A_4, %dma_start3A_44] : memref<10240x128xf32, #tpu.memory_space<vmem_shared>> -> memref<640x128xf32, #tpu.memory_space<vmem_shared>>
      %dma_start3A_46 = arith.constant 0 : i32
      %dma_start3A_47 = tpu.memref_slice %arg5[%mul3A_2, %dma_start3A_46] : memref<10240x128xf32, #tpu.memory_space<hbm>> -> memref<640x128xf32, #tpu.memory_space<hbm>>
      tpu.enqueue_dma source(%dma_start3A_47 : memref<640x128xf32, #tpu.memory_space<hbm>>) target(%dma_start3A_45 : memref<640x128xf32, #tpu.memory_space<vmem_shared>>) target_semaphore(%run_scoped3A : memref<!tpu.dma_semaphore, #tpu.memory_space<semaphore_mem>>)
      %dma_wait3A_48 = arith.constant 0 : i32
      %dma_wait3A_49 = tpu.memref_slice %arg13[%mul3A_4, %dma_wait3A_48] : memref<10240x128xf32, #tpu.memory_space<vmem_shared>> -> memref<640x128xf32, #tpu.memory_space<vmem_shared>>
      %dma_wait3A_50 = arith.constant 0 : i32
      %dma_wait3A_51 = tpu.memref_slice %arg5[%mul3A_2, %dma_wait3A_50] : memref<10240x128xf32, #tpu.memory_space<hbm>> -> memref<640x128xf32, #tpu.memory_space<hbm>>
      tpu.wait_dma2 semaphore(%run_scoped3A : memref<!tpu.dma_semaphore, #tpu.memory_space<semaphore_mem>>) src(%dma_wait3A_51 : memref<640x128xf32, #tpu.memory_space<hbm>>) dst(%dma_wait3A_49 : memref<640x128xf32, #tpu.memory_space<vmem_shared>>)
      tpu.yield
    }) : () -> ()
    %barrier3A = arith.constant 0 : index
    tpu.barrier barrier_id(%barrier3A)
    %mul3A_5 = arith.constant 20000 : i32
    %mul3A_6 = arith.muli %add3A, %mul3A_5 : i32
    %add3A_7 = arith.constant 0 : i32
    %add3A_8 = arith.addi %mul3A_6, %add3A_7 : i32
    %dma_start3A = tpu.memref_slice %arg3[%add3A_8] : memref<640000xi32, #tpu.memory_space<hbm>> -> memref<80xi32, #tpu.memory_space<hbm>>
    %dma_start3A_9 = tpu.memref_slice %arg3[%add3A_8] : memref<640000xi32, #tpu.memory_space<hbm>> -> memref<80xi32, #tpu.memory_space<hbm>>
    tpu.enqueue_dma source(%dma_start3A_9 : memref<80xi32, #tpu.memory_space<hbm>>) target(%arg7 : memref<80xi32, #tpu.memory_space<vmem>>) target_semaphore(%arg18 : memref<!tpu.dma_semaphore, #tpu.memory_space<semaphore_mem>>)
    %add3A_10 = arith.constant 0 : i32
    %add3A_11 = arith.addi %mul3A_6, %add3A_10 : i32
    %dma_start3A_12 = tpu.memref_slice %arg4[%add3A_11] : memref<640000xi32, #tpu.memory_space<hbm>> -> memref<80xi32, #tpu.memory_space<hbm>>
    %dma_start3A_13 = tpu.memref_slice %arg4[%add3A_11] : memref<640000xi32, #tpu.memory_space<hbm>> -> memref<80xi32, #tpu.memory_space<hbm>>
    tpu.enqueue_dma source(%dma_start3A_13 : memref<80xi32, #tpu.memory_space<hbm>>) target(%arg9 : memref<80xi32, #tpu.memory_space<vmem>>) target_semaphore(%arg18 : memref<!tpu.dma_semaphore, #tpu.memory_space<semaphore_mem>>)
    %dma_wait3A = arith.constant 0 : i32
    %dma_wait3A_14 = tpu.memref_slice %arg3[%dma_wait3A] : memref<640000xi32, #tpu.memory_space<hbm>> -> memref<80xi32, #tpu.memory_space<hbm>>
    %dma_wait3A_15 = arith.constant 0 : i32
    %dma_wait3A_16 = tpu.memref_slice %arg3[%dma_wait3A_15] : memref<640000xi32, #tpu.memory_space<hbm>> -> memref<80xi32, #tpu.memory_space<hbm>>
    tpu.wait_dma2 semaphore(%arg18 : memref<!tpu.dma_semaphore, #tpu.memory_space<semaphore_mem>>) src(%dma_wait3A_16 : memref<80xi32, #tpu.memory_space<hbm>>) dst(%arg7 : memref<80xi32, #tpu.memory_space<vmem>>)
    %dma_wait3A_17 = arith.constant 0 : i32
    %dma_wait3A_18 = tpu.memref_slice %arg4[%dma_wait3A_17] : memref<640000xi32, #tpu.memory_space<hbm>> -> memref<80xi32, #tpu.memory_space<hbm>>
    %dma_wait3A_19 = arith.constant 0 : i32
    %dma_wait3A_20 = tpu.memref_slice %arg4[%dma_wait3A_19] : memref<640000xi32, #tpu.memory_space<hbm>> -> memref<80xi32, #tpu.memory_space<hbm>>
    tpu.wait_dma2 semaphore(%arg18 : memref<!tpu.dma_semaphore, #tpu.memory_space<semaphore_mem>>) src(%dma_wait3A_20 : memref<80xi32, #tpu.memory_space<hbm>>) dst(%arg9 : memref<80xi32, #tpu.memory_space<vmem>>)
    %dma_start3A_21 = arith.constant 0 : i32
    %dma_start3A_22 = arith.constant 0 : i32
    %dma_start3A_23 = tpu.memref_slice %arg2[%dma_start3A_21, %dma_start3A_22] : memref<10240x128xf32, #tpu.memory_space<hbm>> -> memref<10240x128xf32, #tpu.memory_space<hbm>>
    tpu.enqueue_indirect_dma source(%dma_start3A_23 : memref<10240x128xf32, #tpu.memory_space<hbm>>) target(%arg11 : memref<80x128xf32, #tpu.memory_space<vmem>>) offsets(%arg7 : memref<80xi32, #tpu.memory_space<vmem>>) semaphore(%arg14 : memref<!tpu.dma_semaphore, #tpu.memory_space<semaphore_mem>>)
    %scan3A = arith.constant 0 : i32
    %scan3A_24 = arith.constant 0 : i32
    %scan3A_25 = arith.constant 125 : i32
    %scan3A_26 = arith.addi %scan3A_24, %scan3A_25 : i32
    %scan3A_27 = arith.constant 1 : i32
    %scan3A_28 = scf.for %scan3A_44 = %scan3A_24 to %scan3A_26 step %scan3A_27 iter_args(%scan3A_45 = %scan3A) -> (i32)  : i32 {
      %mul3A_46 = arith.constant 2 : i32
      %mul3A_47 = arith.muli %mul3A_46, %scan3A_44 : i32
      %add3A_48 = arith.constant 0 : i32
      %add3A_49 = arith.addi %mul3A_47, %add3A_48 : i32
      %add3A_50 = arith.constant 1 : i32
      %add3A_51 = arith.addi %add3A_49, %add3A_50 : i32
      %lt3A = arith.constant 250 : i32
      %lt3A_52 = arith.cmpi slt, %add3A_51, %lt3A : i32
      %convert_element_type3A = arith.extui %lt3A_52 : i1 to i32
      %cond3A = arith.constant 0 : i32
      %cond3A_53 = arith.cmpi ne, %convert_element_type3A, %cond3A : i32
      scf.if %cond3A_53 {
        %add3A_84 = arith.constant 1 : i32
        %add3A_85 = arith.addi %add3A_49, %add3A_84 : i32
        %mul3A_86 = arith.constant 80 : i32
        %mul3A_87 = arith.muli %add3A_85, %mul3A_86 : i32
        %add3A_88 = arith.addi %mul3A_6, %mul3A_87 : i32
        %dma_start3A_89 = tpu.memref_slice %arg3[%add3A_88] : memref<640000xi32, #tpu.memory_space<hbm>> -> memref<80xi32, #tpu.memory_space<hbm>>
        %dma_start3A_90 = tpu.memref_slice %arg3[%add3A_88] : memref<640000xi32, #tpu.memory_space<hbm>> -> memref<80xi32, #tpu.memory_space<hbm>>
        tpu.enqueue_dma source(%dma_start3A_90 : memref<80xi32, #tpu.memory_space<hbm>>) target(%arg8 : memref<80xi32, #tpu.memory_space<vmem>>) target_semaphore(%arg19 : memref<!tpu.dma_semaphore, #tpu.memory_space<semaphore_mem>>)
        %ge3A = arith.constant 1 : i32
        %ge3A_91 = arith.cmpi sge, %add3A_49, %ge3A : i32
        %convert_element_type3A_92 = arith.extui %ge3A_91 : i1 to i32
        %cond3A_93 = arith.constant 0 : i32
        %cond3A_94 = arith.cmpi ne, %convert_element_type3A_92, %cond3A_93 : i32
        scf.if %cond3A_94 {
          %dma_wait3A_113 = arith.constant 0 : i32
          %dma_wait3A_114 = arith.constant 0 : i32
          %dma_wait3A_115 = tpu.memref_slice %arg13[%dma_wait3A_113, %dma_wait3A_114] : memref<10240x128xf32, #tpu.memory_space<vmem_shared>> -> memref<10240x128xf32, #tpu.memory_space<vmem_shared>>
          tpu.wait_indirect_dma semaphore(%arg17 : memref<!tpu.dma_semaphore, #tpu.memory_space<semaphore_mem>>) src(%arg12 : memref<80x128xf32, #tpu.memory_space<vmem>>) dst(%dma_wait3A_115 : memref<10240x128xf32, #tpu.memory_space<vmem_shared>>)
        } else {
        }
        %add3A_95 = arith.constant 1 : i32
        %add3A_96 = arith.addi %add3A_49, %add3A_95 : i32
        %mul3A_97 = arith.constant 80 : i32
        %mul3A_98 = arith.muli %add3A_96, %mul3A_97 : i32
        %add3A_99 = arith.addi %mul3A_6, %mul3A_98 : i32
        %dma_start3A_100 = tpu.memref_slice %arg4[%add3A_99] : memref<640000xi32, #tpu.memory_space<hbm>> -> memref<80xi32, #tpu.memory_space<hbm>>
        %dma_start3A_101 = tpu.memref_slice %arg4[%add3A_99] : memref<640000xi32, #tpu.memory_space<hbm>> -> memref<80xi32, #tpu.memory_space<hbm>>
        tpu.enqueue_dma source(%dma_start3A_101 : memref<80xi32, #tpu.memory_space<hbm>>) target(%arg10 : memref<80xi32, #tpu.memory_space<vmem>>) target_semaphore(%arg19 : memref<!tpu.dma_semaphore, #tpu.memory_space<semaphore_mem>>)
        %dma_wait3A_102 = arith.constant 0 : i32
        %dma_wait3A_103 = tpu.memref_slice %arg3[%dma_wait3A_102] : memref<640000xi32, #tpu.memory_space<hbm>> -> memref<80xi32, #tpu.memory_space<hbm>>
        %dma_wait3A_104 = arith.constant 0 : i32
        %dma_wait3A_105 = tpu.memref_slice %arg3[%dma_wait3A_104] : memref<640000xi32, #tpu.memory_space<hbm>> -> memref<80xi32, #tpu.memory_space<hbm>>
        tpu.wait_dma2 semaphore(%arg19 : memref<!tpu.dma_semaphore, #tpu.memory_space<semaphore_mem>>) src(%dma_wait3A_105 : memref<80xi32, #tpu.memory_space<hbm>>) dst(%arg8 : memref<80xi32, #tpu.memory_space<vmem>>)
        %dma_wait3A_106 = arith.constant 0 : i32
        %dma_wait3A_107 = tpu.memref_slice %arg4[%dma_wait3A_106] : memref<640000xi32, #tpu.memory_space<hbm>> -> memref<80xi32, #tpu.memory_space<hbm>>
        %dma_wait3A_108 = arith.constant 0 : i32
        %dma_wait3A_109 = tpu.memref_slice %arg4[%dma_wait3A_108] : memref<640000xi32, #tpu.memory_space<hbm>> -> memref<80xi32, #tpu.memory_space<hbm>>
        tpu.wait_dma2 semaphore(%arg19 : memref<!tpu.dma_semaphore, #tpu.memory_space<semaphore_mem>>) src(%dma_wait3A_109 : memref<80xi32, #tpu.memory_space<hbm>>) dst(%arg10 : memref<80xi32, #tpu.memory_space<vmem>>)
        %dma_start3A_110 = arith.constant 0 : i32
        %dma_start3A_111 = arith.constant 0 : i32
        %dma_start3A_112 = tpu.memref_slice %arg2[%dma_start3A_110, %dma_start3A_111] : memref<10240x128xf32, #tpu.memory_space<hbm>> -> memref<10240x128xf32, #tpu.memory_space<hbm>>
        tpu.enqueue_indirect_dma source(%dma_start3A_112 : memref<10240x128xf32, #tpu.memory_space<hbm>>) target(%arg12 : memref<80x128xf32, #tpu.memory_space<vmem>>) offsets(%arg8 : memref<80xi32, #tpu.memory_space<vmem>>) semaphore(%arg15 : memref<!tpu.dma_semaphore, #tpu.memory_space<semaphore_mem>>)
      } else {
      }
      %dma_wait3A_54 = arith.constant 0 : i32
      %dma_wait3A_55 = arith.constant 0 : i32
      %dma_wait3A_56 = tpu.memref_slice %arg5[%dma_wait3A_54, %dma_wait3A_55] : memref<10240x128xf32, #tpu.memory_space<hbm>> -> memref<80x128xf32, #tpu.memory_space<hbm>>
      %dma_wait3A_57 = arith.constant 0 : i32
      %dma_wait3A_58 = arith.constant 0 : i32
      %dma_wait3A_59 = tpu.memref_slice %arg5[%dma_wait3A_57, %dma_wait3A_58] : memref<10240x128xf32, #tpu.memory_space<hbm>> -> memref<80x128xf32, #tpu.memory_space<hbm>>
      tpu.wait_dma2 semaphore(%arg14 : memref<!tpu.dma_semaphore, #tpu.memory_space<semaphore_mem>>) src(%dma_wait3A_59 : memref<80x128xf32, #tpu.memory_space<hbm>>) dst(%arg11 : memref<80x128xf32, #tpu.memory_space<vmem>>)
      %dma_start3A_60 = arith.constant 0 : i32
      %dma_start3A_61 = arith.constant 0 : i32
      %dma_start3A_62 = tpu.memref_slice %arg13[%dma_start3A_60, %dma_start3A_61] : memref<10240x128xf32, #tpu.memory_space<vmem_shared>> -> memref<10240x128xf32, #tpu.memory_space<vmem_shared>>
      tpu.enqueue_indirect_dma source(%arg11 : memref<80x128xf32, #tpu.memory_space<vmem>>) target(%dma_start3A_62 : memref<10240x128xf32, #tpu.memory_space<vmem_shared>>) offsets(%arg9 : memref<80xi32, #tpu.memory_space<vmem>>) semaphore(%arg16 : memref<!tpu.dma_semaphore, #tpu.memory_space<semaphore_mem>>) {add = true}
      %mul3A_63 = arith.constant 2 : i32
      %mul3A_64 = arith.muli %mul3A_63, %scan3A_44 : i32
      %add3A_65 = arith.constant 1 : i32
      %add3A_66 = arith.addi %mul3A_64, %add3A_65 : i32
      %add3A_67 = arith.constant 1 : i32
      %add3A_68 = arith.addi %add3A_66, %add3A_67 : i32
      %lt3A_69 = arith.constant 250 : i32
      %lt3A_70 = arith.cmpi slt, %add3A_68, %lt3A_69 : i32
      %convert_element_type3A_71 = arith.extui %lt3A_70 : i1 to i32
      %cond3A_72 = arith.constant 0 : i32
      %cond3A_73 = arith.cmpi ne, %convert_element_type3A_71, %cond3A_72 : i32
      scf.if %cond3A_73 {
        %add3A_84 = arith.constant 1 : i32
        %add3A_85 = arith.addi %add3A_66, %add3A_84 : i32
        %mul3A_86 = arith.constant 80 : i32
        %mul3A_87 = arith.muli %add3A_85, %mul3A_86 : i32
        %add3A_88 = arith.addi %mul3A_6, %mul3A_87 : i32
        %dma_start3A_89 = tpu.memref_slice %arg3[%add3A_88] : memref<640000xi32, #tpu.memory_space<hbm>> -> memref<80xi32, #tpu.memory_space<hbm>>
        %dma_start3A_90 = tpu.memref_slice %arg3[%add3A_88] : memref<640000xi32, #tpu.memory_space<hbm>> -> memref<80xi32, #tpu.memory_space<hbm>>
        tpu.enqueue_dma source(%dma_start3A_90 : memref<80xi32, #tpu.memory_space<hbm>>) target(%arg7 : memref<80xi32, #tpu.memory_space<vmem>>) target_semaphore(%arg18 : memref<!tpu.dma_semaphore, #tpu.memory_space<semaphore_mem>>)
        %ge3A = arith.constant 1 : i32
        %ge3A_91 = arith.cmpi sge, %add3A_66, %ge3A : i32
        %convert_element_type3A_92 = arith.extui %ge3A_91 : i1 to i32
        %cond3A_93 = arith.constant 0 : i32
        %cond3A_94 = arith.cmpi ne, %convert_element_type3A_92, %cond3A_93 : i32
        scf.if %cond3A_94 {
          %dma_wait3A_113 = arith.constant 0 : i32
          %dma_wait3A_114 = arith.constant 0 : i32
          %dma_wait3A_115 = tpu.memref_slice %arg13[%dma_wait3A_113, %dma_wait3A_114] : memref<10240x128xf32, #tpu.memory_space<vmem_shared>> -> memref<10240x128xf32, #tpu.memory_space<vmem_shared>>
          tpu.wait_indirect_dma semaphore(%arg16 : memref<!tpu.dma_semaphore, #tpu.memory_space<semaphore_mem>>) src(%arg11 : memref<80x128xf32, #tpu.memory_space<vmem>>) dst(%dma_wait3A_115 : memref<10240x128xf32, #tpu.memory_space<vmem_shared>>)
        } else {
        }
        %add3A_95 = arith.constant 1 : i32
        %add3A_96 = arith.addi %add3A_66, %add3A_95 : i32
        %mul3A_97 = arith.constant 80 : i32
        %mul3A_98 = arith.muli %add3A_96, %mul3A_97 : i32
        %add3A_99 = arith.addi %mul3A_6, %mul3A_98 : i32
        %dma_start3A_100 = tpu.memref_slice %arg4[%add3A_99] : memref<640000xi32, #tpu.memory_space<hbm>> -> memref<80xi32, #tpu.memory_space<hbm>>
        %dma_start3A_101 = tpu.memref_slice %arg4[%add3A_99] : memref<640000xi32, #tpu.memory_space<hbm>> -> memref<80xi32, #tpu.memory_space<hbm>>
        tpu.enqueue_dma source(%dma_start3A_101 : memref<80xi32, #tpu.memory_space<hbm>>) target(%arg9 : memref<80xi32, #tpu.memory_space<vmem>>) target_semaphore(%arg18 : memref<!tpu.dma_semaphore, #tpu.memory_space<semaphore_mem>>)
        %dma_wait3A_102 = arith.constant 0 : i32
        %dma_wait3A_103 = tpu.memref_slice %arg3[%dma_wait3A_102] : memref<640000xi32, #tpu.memory_space<hbm>> -> memref<80xi32, #tpu.memory_space<hbm>>
        %dma_wait3A_104 = arith.constant 0 : i32
        %dma_wait3A_105 = tpu.memref_slice %arg3[%dma_wait3A_104] : memref<640000xi32, #tpu.memory_space<hbm>> -> memref<80xi32, #tpu.memory_space<hbm>>
        tpu.wait_dma2 semaphore(%arg18 : memref<!tpu.dma_semaphore, #tpu.memory_space<semaphore_mem>>) src(%dma_wait3A_105 : memref<80xi32, #tpu.memory_space<hbm>>) dst(%arg7 : memref<80xi32, #tpu.memory_space<vmem>>)
        %dma_wait3A_106 = arith.constant 0 : i32
        %dma_wait3A_107 = tpu.memref_slice %arg4[%dma_wait3A_106] : memref<640000xi32, #tpu.memory_space<hbm>> -> memref<80xi32, #tpu.memory_space<hbm>>
        %dma_wait3A_108 = arith.constant 0 : i32
        %dma_wait3A_109 = tpu.memref_slice %arg4[%dma_wait3A_108] : memref<640000xi32, #tpu.memory_space<hbm>> -> memref<80xi32, #tpu.memory_space<hbm>>
        tpu.wait_dma2 semaphore(%arg18 : memref<!tpu.dma_semaphore, #tpu.memory_space<semaphore_mem>>) src(%dma_wait3A_109 : memref<80xi32, #tpu.memory_space<hbm>>) dst(%arg9 : memref<80xi32, #tpu.memory_space<vmem>>)
        %dma_start3A_110 = arith.constant 0 : i32
        %dma_start3A_111 = arith.constant 0 : i32
        %dma_start3A_112 = tpu.memref_slice %arg2[%dma_start3A_110, %dma_start3A_111] : memref<10240x128xf32, #tpu.memory_space<hbm>> -> memref<10240x128xf32, #tpu.memory_space<hbm>>
        tpu.enqueue_indirect_dma source(%dma_start3A_112 : memref<10240x128xf32, #tpu.memory_space<hbm>>) target(%arg11 : memref<80x128xf32, #tpu.memory_space<vmem>>) offsets(%arg7 : memref<80xi32, #tpu.memory_space<vmem>>) semaphore(%arg14 : memref<!tpu.dma_semaphore, #tpu.memory_space<semaphore_mem>>)
      } else {
      }
      %dma_wait3A_74 = arith.constant 0 : i32
      %dma_wait3A_75 = arith.constant 0 : i32
      %dma_wait3A_76 = tpu.memref_slice %arg5[%dma_wait3A_74, %dma_wait3A_75] : memref<10240x128xf32, #tpu.memory_space<hbm>> -> memref<80x128xf32, #tpu.memory_space<hbm>>
      %dma_wait3A_77 = arith.constant 0 : i32
      %dma_wait3A_78 = arith.constant 0 : i32
      %dma_wait3A_79 = tpu.memref_slice %arg5[%dma_wait3A_77, %dma_wait3A_78] : memref<10240x128xf32, #tpu.memory_space<hbm>> -> memref<80x128xf32, #tpu.memory_space<hbm>>
      tpu.wait_dma2 semaphore(%arg15 : memref<!tpu.dma_semaphore, #tpu.memory_space<semaphore_mem>>) src(%dma_wait3A_79 : memref<80x128xf32, #tpu.memory_space<hbm>>) dst(%arg12 : memref<80x128xf32, #tpu.memory_space<vmem>>)
      %dma_start3A_80 = arith.constant 0 : i32
      %dma_start3A_81 = arith.constant 0 : i32
      %dma_start3A_82 = tpu.memref_slice %arg13[%dma_start3A_80, %dma_start3A_81] : memref<10240x128xf32, #tpu.memory_space<vmem_shared>> -> memref<10240x128xf32, #tpu.memory_space<vmem_shared>>
      tpu.enqueue_indirect_dma source(%arg12 : memref<80x128xf32, #tpu.memory_space<vmem>>) target(%dma_start3A_82 : memref<10240x128xf32, #tpu.memory_space<vmem_shared>>) offsets(%arg10 : memref<80xi32, #tpu.memory_space<vmem>>) semaphore(%arg17 : memref<!tpu.dma_semaphore, #tpu.memory_space<semaphore_mem>>) {add = true}
      %scan3A_83 = arith.constant 0 : i32
      scf.yield %scan3A_83 : i32
    }
    %scan3A_29 = arith.constant 125 : i32
    %dma_wait3A_30 = arith.constant 0 : i32
    %dma_wait3A_31 = arith.constant 0 : i32
    %dma_wait3A_32 = tpu.memref_slice %arg13[%dma_wait3A_30, %dma_wait3A_31] : memref<10240x128xf32, #tpu.memory_space<vmem_shared>> -> memref<10240x128xf32, #tpu.memory_space<vmem_shared>>
    tpu.wait_indirect_dma semaphore(%arg16 : memref<!tpu.dma_semaphore, #tpu.memory_space<semaphore_mem>>) src(%arg11 : memref<80x128xf32, #tpu.memory_space<vmem>>) dst(%dma_wait3A_32 : memref<10240x128xf32, #tpu.memory_space<vmem_shared>>)
    %dma_wait3A_33 = arith.constant 0 : i32
    %dma_wait3A_34 = arith.constant 0 : i32
    %dma_wait3A_35 = tpu.memref_slice %arg13[%dma_wait3A_33, %dma_wait3A_34] : memref<10240x128xf32, #tpu.memory_space<vmem_shared>> -> memref<10240x128xf32, #tpu.memory_space<vmem_shared>>
    tpu.wait_indirect_dma semaphore(%arg17 : memref<!tpu.dma_semaphore, #tpu.memory_space<semaphore_mem>>) src(%arg12 : memref<80x128xf32, #tpu.memory_space<vmem>>) dst(%dma_wait3A_35 : memref<10240x128xf32, #tpu.memory_space<vmem_shared>>)
    %barrier3A_36 = arith.constant 0 : index
    tpu.barrier barrier_id(%barrier3A_36)
    %mul3A_37 = arith.constant 640 : i32
    %mul3A_38 = arith.muli %arg1, %mul3A_37 : i32
    %mul3A_39 = arith.constant 10240 : i32
    %mul3A_40 = arith.muli %arg0, %mul3A_39 : i32
    %mul3A_41 = arith.constant 640 : i32
    %mul3A_42 = arith.muli %arg1, %mul3A_41 : i32
    %add3A_43 = arith.addi %mul3A_40, %mul3A_42 : i32
    "tpu.region"() ({
      %run_scoped3A = tpu.sem_alloc : memref<!tpu.dma_semaphore, #tpu.memory_space<semaphore_mem>>
      %dma_start3A_44 = arith.constant 0 : i32
      %dma_start3A_45 = tpu.memref_slice %arg6[%add3A_43, %dma_start3A_44] : memref<20480x128xf32, #tpu.memory_space<hbm>> -> memref<640x128xf32, #tpu.memory_space<hbm>>
      %dma_start3A_46 = arith.constant 0 : i32
      %dma_start3A_47 = tpu.memref_slice %arg13[%mul3A_38, %dma_start3A_46] : memref<10240x128xf32, #tpu.memory_space<vmem_shared>> -> memref<640x128xf32, #tpu.memory_space<vmem_shared>>
      tpu.enqueue_dma source(%dma_start3A_47 : memref<640x128xf32, #tpu.memory_space<vmem_shared>>) target(%dma_start3A_45 : memref<640x128xf32, #tpu.memory_space<hbm>>) target_semaphore(%run_scoped3A : memref<!tpu.dma_semaphore, #tpu.memory_space<semaphore_mem>>)
      %dma_wait3A_48 = arith.constant 0 : i32
      %dma_wait3A_49 = tpu.memref_slice %arg6[%add3A_43, %dma_wait3A_48] : memref<20480x128xf32, #tpu.memory_space<hbm>> -> memref<640x128xf32, #tpu.memory_space<hbm>>
      %dma_wait3A_50 = arith.constant 0 : i32
      %dma_wait3A_51 = tpu.memref_slice %arg13[%mul3A_38, %dma_wait3A_50] : memref<10240x128xf32, #tpu.memory_space<vmem_shared>> -> memref<640x128xf32, #tpu.memory_space<vmem_shared>>
      tpu.wait_dma2 semaphore(%run_scoped3A : memref<!tpu.dma_semaphore, #tpu.memory_space<semaphore_mem>>) src(%dma_wait3A_51 : memref<640x128xf32, #tpu.memory_space<vmem_shared>>) dst(%dma_wait3A_49 : memref<640x128xf32, #tpu.memory_space<hbm>>)
      tpu.yield
    }) : () -> ()
    return
  }
}

#map = affine_map<(d0, d1) -> (0, 0)>
#map1 = affine_map<(d0, d1) -> (0)>
module attributes {stable_mosaic.version = 14 : i64} {
  func.func @k(%arg0: i32, %arg1: i32, %arg2: memref<10240x128xf32, #tpu.memory_space<hbm>>, %arg3: memref<640000xi32, #tpu.memory_space<hbm>>, %arg4: memref<640000xi32, #tpu.memory_space<hbm>>, %arg5: memref<10240x128xf32, #tpu.memory_space<hbm>>, %arg6: memref<20480x128xf32, #tpu.memory_space<hbm>>, %arg7: memref<80xi32, #tpu.memory_space<vmem>>, %arg8: memref<80xi32, #tpu.memory_space<vmem>>, %arg9: memref<80xi32, #tpu.memory_space<vmem>>, %arg10: memref<80xi32, #tpu.memory_space<vmem>>, %arg11: memref<80x128xf32, #tpu.memory_space<vmem>>, %arg12: memref<80x128xf32, #tpu.memory_space<vmem>>, %arg13: memref<10240x128xf32, #tpu.memory_space<vmem_shared>>, %arg14: memref<!tpu.dma_semaphore, #tpu.memory_space<semaphore_mem>>, %arg15: memref<!tpu.dma_semaphore, #tpu.memory_space<semaphore_mem>>, %arg16: memref<!tpu.dma_semaphore, #tpu.memory_space<semaphore_mem>>, %arg17: memref<!tpu.dma_semaphore, #tpu.memory_space<semaphore_mem>>, %arg18: memref<!tpu.dma_semaphore, #tpu.memory_space<semaphore_mem>>, %arg19: memref<!tpu.dma_semaphore, #tpu.memory_space<semaphore_mem>>) attributes {dimension_semantics = [#tpu.dimension_semantics<core_parallel>, #tpu.dimension_semantics<subcore_parallel>], iteration_bounds = array<i64: 2, 16>, scalar_prefetch = 0 : i64, scratch_operands = 13 : i64, tpu.core_type = #tpu.core_type<sc_vector_subcore>, window_params = [{transform_indices = #map}, {transform_indices = #map1}, {transform_indices = #map1}, {transform_indices = #map}, {transform_indices = #map}]} {
    %mul3A = arith.constant 16 : i32
    %mul3A_0 = arith.muli %arg0, %mul3A : i32
    %add3A = arith.addi %mul3A_0, %arg1 : i32
    %mul3A_1 = arith.constant 640 : i32
    %mul3A_2 = arith.muli %arg1, %mul3A_1 : i32
    %mul3A_3 = arith.constant 640 : i32
    %mul3A_4 = arith.muli %arg1, %mul3A_3 : i32
    "tpu.region"() ({
      %run_scoped3A = tpu.sem_alloc : memref<!tpu.dma_semaphore, #tpu.memory_space<semaphore_mem>>
      %dma_start3A_44 = arith.constant 0 : i32
      %dma_start3A_45 = tpu.memref_slice %arg13[%mul3A_4, %dma_start3A_44] : memref<10240x128xf32, #tpu.memory_space<vmem_shared>> -> memref<640x128xf32, #tpu.memory_space<vmem_shared>>
      %dma_start3A_46 = arith.constant 0 : i32
      %dma_start3A_47 = tpu.memref_slice %arg5[%mul3A_2, %dma_start3A_46] : memref<10240x128xf32, #tpu.memory_space<hbm>> -> memref<640x128xf32, #tpu.memory_space<hbm>>
      tpu.enqueue_dma source(%dma_start3A_47 : memref<640x128xf32, #tpu.memory_space<hbm>>) target(%dma_start3A_45 : memref<640x128xf32, #tpu.memory_space<vmem_shared>>) target_semaphore(%run_scoped3A : memref<!tpu.dma_semaphore, #tpu.memory_space<semaphore_mem>>)
      %dma_wait3A_48 = arith.constant 0 : i32
      %dma_wait3A_49 = tpu.memref_slice %arg13[%mul3A_4, %dma_wait3A_48] : memref<10240x128xf32, #tpu.memory_space<vmem_shared>> -> memref<640x128xf32, #tpu.memory_space<vmem_shared>>
      %dma_wait3A_50 = arith.constant 0 : i32
      %dma_wait3A_51 = tpu.memref_slice %arg5[%mul3A_2, %dma_wait3A_50] : memref<10240x128xf32, #tpu.memory_space<hbm>> -> memref<640x128xf32, #tpu.memory_space<hbm>>
      tpu.wait_dma2 semaphore(%run_scoped3A : memref<!tpu.dma_semaphore, #tpu.memory_space<semaphore_mem>>) src(%dma_wait3A_51 : memref<640x128xf32, #tpu.memory_space<hbm>>) dst(%dma_wait3A_49 : memref<640x128xf32, #tpu.memory_space<vmem_shared>>)
      tpu.yield
    }) : () -> ()
    %barrier3A = arith.constant 0 : index
    tpu.barrier barrier_id(%barrier3A)
    %mul3A_5 = arith.constant 20000 : i32
    %mul3A_6 = arith.muli %add3A, %mul3A_5 : i32
    %add3A_7 = arith.constant 0 : i32
    %add3A_8 = arith.addi %mul3A_6, %add3A_7 : i32
    %dma_start3A = tpu.memref_slice %arg3[%add3A_8] : memref<640000xi32, #tpu.memory_space<hbm>> -> memref<80xi32, #tpu.memory_space<hbm>>
    %dma_start3A_9 = tpu.memref_slice %arg3[%add3A_8] : memref<640000xi32, #tpu.memory_space<hbm>> -> memref<80xi32, #tpu.memory_space<hbm>>
    tpu.enqueue_dma source(%dma_start3A_9 : memref<80xi32, #tpu.memory_space<hbm>>) target(%arg7 : memref<80xi32, #tpu.memory_space<vmem>>) target_semaphore(%arg18 : memref<!tpu.dma_semaphore, #tpu.memory_space<semaphore_mem>>)
    %add3A_10 = arith.constant 0 : i32
    %add3A_11 = arith.addi %mul3A_6, %add3A_10 : i32
    %dma_start3A_12 = tpu.memref_slice %arg4[%add3A_11] : memref<640000xi32, #tpu.memory_space<hbm>> -> memref<80xi32, #tpu.memory_space<hbm>>
    %dma_start3A_13 = tpu.memref_slice %arg4[%add3A_11] : memref<640000xi32, #tpu.memory_space<hbm>> -> memref<80xi32, #tpu.memory_space<hbm>>
    tpu.enqueue_dma source(%dma_start3A_13 : memref<80xi32, #tpu.memory_space<hbm>>) target(%arg9 : memref<80xi32, #tpu.memory_space<vmem>>) target_semaphore(%arg18 : memref<!tpu.dma_semaphore, #tpu.memory_space<semaphore_mem>>)
    %dma_wait3A = arith.constant 0 : i32
    %dma_wait3A_14 = tpu.memref_slice %arg3[%dma_wait3A] : memref<640000xi32, #tpu.memory_space<hbm>> -> memref<80xi32, #tpu.memory_space<hbm>>
    %dma_wait3A_15 = arith.constant 0 : i32
    %dma_wait3A_16 = tpu.memref_slice %arg3[%dma_wait3A_15] : memref<640000xi32, #tpu.memory_space<hbm>> -> memref<80xi32, #tpu.memory_space<hbm>>
    tpu.wait_dma2 semaphore(%arg18 : memref<!tpu.dma_semaphore, #tpu.memory_space<semaphore_mem>>) src(%dma_wait3A_16 : memref<80xi32, #tpu.memory_space<hbm>>) dst(%arg7 : memref<80xi32, #tpu.memory_space<vmem>>)
    %dma_wait3A_17 = arith.constant 0 : i32
    %dma_wait3A_18 = tpu.memref_slice %arg4[%dma_wait3A_17] : memref<640000xi32, #tpu.memory_space<hbm>> -> memref<80xi32, #tpu.memory_space<hbm>>
    %dma_wait3A_19 = arith.constant 0 : i32
    %dma_wait3A_20 = tpu.memref_slice %arg4[%dma_wait3A_19] : memref<640000xi32, #tpu.memory_space<hbm>> -> memref<80xi32, #tpu.memory_space<hbm>>
    tpu.wait_dma2 semaphore(%arg18 : memref<!tpu.dma_semaphore, #tpu.memory_space<semaphore_mem>>) src(%dma_wait3A_20 : memref<80xi32, #tpu.memory_space<hbm>>) dst(%arg9 : memref<80xi32, #tpu.memory_space<vmem>>)
    %dma_start3A_21 = arith.constant 0 : i32
    %dma_start3A_22 = arith.constant 0 : i32
    %dma_start3A_23 = tpu.memref_slice %arg2[%dma_start3A_21, %dma_start3A_22] : memref<10240x128xf32, #tpu.memory_space<hbm>> -> memref<10240x128xf32, #tpu.memory_space<hbm>>
    tpu.enqueue_indirect_dma source(%dma_start3A_23 : memref<10240x128xf32, #tpu.memory_space<hbm>>) target(%arg11 : memref<80x128xf32, #tpu.memory_space<vmem>>) offsets(%arg7 : memref<80xi32, #tpu.memory_space<vmem>>) semaphore(%arg14 : memref<!tpu.dma_semaphore, #tpu.memory_space<semaphore_mem>>)
    %scan3A = arith.constant 0 : i32
    %scan3A_24 = arith.constant 0 : i32
    %scan3A_25 = arith.constant 125 : i32
    %scan3A_26 = arith.addi %scan3A_24, %scan3A_25 : i32
    %scan3A_27 = arith.constant 1 : i32
    %scan3A_28 = scf.for %scan3A_44 = %scan3A_24 to %scan3A_26 step %scan3A_27 iter_args(%scan3A_45 = %scan3A) -> (i32)  : i32 {
      %mul3A_46 = arith.constant 2 : i32
      %mul3A_47 = arith.muli %mul3A_46, %scan3A_44 : i32
      %add3A_48 = arith.constant 0 : i32
      %add3A_49 = arith.addi %mul3A_47, %add3A_48 : i32
      %add3A_50 = arith.constant 1 : i32
      %add3A_51 = arith.addi %add3A_49, %add3A_50 : i32
      %lt3A = arith.constant 250 : i32
      %lt3A_52 = arith.cmpi slt, %add3A_51, %lt3A : i32
      %convert_element_type3A = arith.extui %lt3A_52 : i1 to i32
      %cond3A = arith.constant 0 : i32
      %cond3A_53 = arith.cmpi ne, %convert_element_type3A, %cond3A : i32
      scf.if %cond3A_53 {
        %add3A_84 = arith.constant 1 : i32
        %add3A_85 = arith.addi %add3A_49, %add3A_84 : i32
        %mul3A_86 = arith.constant 80 : i32
        %mul3A_87 = arith.muli %add3A_85, %mul3A_86 : i32
        %add3A_88 = arith.addi %mul3A_6, %mul3A_87 : i32
        %dma_start3A_89 = tpu.memref_slice %arg3[%add3A_88] : memref<640000xi32, #tpu.memory_space<hbm>> -> memref<80xi32, #tpu.memory_space<hbm>>
        %dma_start3A_90 = tpu.memref_slice %arg3[%add3A_88] : memref<640000xi32, #tpu.memory_space<hbm>> -> memref<80xi32, #tpu.memory_space<hbm>>
        tpu.enqueue_dma source(%dma_start3A_90 : memref<80xi32, #tpu.memory_space<hbm>>) target(%arg8 : memref<80xi32, #tpu.memory_space<vmem>>) target_semaphore(%arg19 : memref<!tpu.dma_semaphore, #tpu.memory_space<semaphore_mem>>)
        %ge3A = arith.constant 1 : i32
        %ge3A_91 = arith.cmpi sge, %add3A_49, %ge3A : i32
        %convert_element_type3A_92 = arith.extui %ge3A_91 : i1 to i32
        %cond3A_93 = arith.constant 0 : i32
        %cond3A_94 = arith.cmpi ne, %convert_element_type3A_92, %cond3A_93 : i32
        scf.if %cond3A_94 {
          %dma_wait3A_113 = arith.constant 0 : i32
          %dma_wait3A_114 = arith.constant 0 : i32
          %dma_wait3A_115 = tpu.memref_slice %arg13[%dma_wait3A_113, %dma_wait3A_114] : memref<10240x128xf32, #tpu.memory_space<vmem_shared>> -> memref<10240x128xf32, #tpu.memory_space<vmem_shared>>
          tpu.wait_indirect_dma semaphore(%arg17 : memref<!tpu.dma_semaphore, #tpu.memory_space<semaphore_mem>>) src(%arg12 : memref<80x128xf32, #tpu.memory_space<vmem>>) dst(%dma_wait3A_115 : memref<10240x128xf32, #tpu.memory_space<vmem_shared>>)
        } else {
        }
        %add3A_95 = arith.constant 1 : i32
        %add3A_96 = arith.addi %add3A_49, %add3A_95 : i32
        %mul3A_97 = arith.constant 80 : i32
        %mul3A_98 = arith.muli %add3A_96, %mul3A_97 : i32
        %add3A_99 = arith.addi %mul3A_6, %mul3A_98 : i32
        %dma_start3A_100 = tpu.memref_slice %arg4[%add3A_99] : memref<640000xi32, #tpu.memory_space<hbm>> -> memref<80xi32, #tpu.memory_space<hbm>>
        %dma_start3A_101 = tpu.memref_slice %arg4[%add3A_99] : memref<640000xi32, #tpu.memory_space<hbm>> -> memref<80xi32, #tpu.memory_space<hbm>>
        tpu.enqueue_dma source(%dma_start3A_101 : memref<80xi32, #tpu.memory_space<hbm>>) target(%arg10 : memref<80xi32, #tpu.memory_space<vmem>>) target_semaphore(%arg19 : memref<!tpu.dma_semaphore, #tpu.memory_space<semaphore_mem>>)
        %dma_wait3A_102 = arith.constant 0 : i32
        %dma_wait3A_103 = tpu.memref_slice %arg3[%dma_wait3A_102] : memref<640000xi32, #tpu.memory_space<hbm>> -> memref<80xi32, #tpu.memory_space<hbm>>
        %dma_wait3A_104 = arith.constant 0 : i32
        %dma_wait3A_105 = tpu.memref_slice %arg3[%dma_wait3A_104] : memref<640000xi32, #tpu.memory_space<hbm>> -> memref<80xi32, #tpu.memory_space<hbm>>
        tpu.wait_dma2 semaphore(%arg19 : memref<!tpu.dma_semaphore, #tpu.memory_space<semaphore_mem>>) src(%dma_wait3A_105 : memref<80xi32, #tpu.memory_space<hbm>>) dst(%arg8 : memref<80xi32, #tpu.memory_space<vmem>>)
        %dma_wait3A_106 = arith.constant 0 : i32
        %dma_wait3A_107 = tpu.memref_slice %arg4[%dma_wait3A_106] : memref<640000xi32, #tpu.memory_space<hbm>> -> memref<80xi32, #tpu.memory_space<hbm>>
        %dma_wait3A_108 = arith.constant 0 : i32
        %dma_wait3A_109 = tpu.memref_slice %arg4[%dma_wait3A_108] : memref<640000xi32, #tpu.memory_space<hbm>> -> memref<80xi32, #tpu.memory_space<hbm>>
        tpu.wait_dma2 semaphore(%arg19 : memref<!tpu.dma_semaphore, #tpu.memory_space<semaphore_mem>>) src(%dma_wait3A_109 : memref<80xi32, #tpu.memory_space<hbm>>) dst(%arg10 : memref<80xi32, #tpu.memory_space<vmem>>)
        %dma_start3A_110 = arith.constant 0 : i32
        %dma_start3A_111 = arith.constant 0 : i32
        %dma_start3A_112 = tpu.memref_slice %arg2[%dma_start3A_110, %dma_start3A_111] : memref<10240x128xf32, #tpu.memory_space<hbm>> -> memref<10240x128xf32, #tpu.memory_space<hbm>>
        tpu.enqueue_indirect_dma source(%dma_start3A_112 : memref<10240x128xf32, #tpu.memory_space<hbm>>) target(%arg12 : memref<80x128xf32, #tpu.memory_space<vmem>>) offsets(%arg8 : memref<80xi32, #tpu.memory_space<vmem>>) semaphore(%arg15 : memref<!tpu.dma_semaphore, #tpu.memory_space<semaphore_mem>>)
      } else {
      }
      %dma_wait3A_54 = arith.constant 0 : i32
      %dma_wait3A_55 = arith.constant 0 : i32
      %dma_wait3A_56 = tpu.memref_slice %arg5[%dma_wait3A_54, %dma_wait3A_55] : memref<10240x128xf32, #tpu.memory_space<hbm>> -> memref<80x128xf32, #tpu.memory_space<hbm>>
      %dma_wait3A_57 = arith.constant 0 : i32
      %dma_wait3A_58 = arith.constant 0 : i32
      %dma_wait3A_59 = tpu.memref_slice %arg5[%dma_wait3A_57, %dma_wait3A_58] : memref<10240x128xf32, #tpu.memory_space<hbm>> -> memref<80x128xf32, #tpu.memory_space<hbm>>
      tpu.wait_dma2 semaphore(%arg14 : memref<!tpu.dma_semaphore, #tpu.memory_space<semaphore_mem>>) src(%dma_wait3A_59 : memref<80x128xf32, #tpu.memory_space<hbm>>) dst(%arg11 : memref<80x128xf32, #tpu.memory_space<vmem>>)
      %dma_start3A_60 = arith.constant 0 : i32
      %dma_start3A_61 = arith.constant 0 : i32
      %dma_start3A_62 = tpu.memref_slice %arg13[%dma_start3A_60, %dma_start3A_61] : memref<10240x128xf32, #tpu.memory_space<vmem_shared>> -> memref<10240x128xf32, #tpu.memory_space<vmem_shared>>
      tpu.enqueue_indirect_dma source(%arg11 : memref<80x128xf32, #tpu.memory_space<vmem>>) target(%dma_start3A_62 : memref<10240x128xf32, #tpu.memory_space<vmem_shared>>) offsets(%arg9 : memref<80xi32, #tpu.memory_space<vmem>>) semaphore(%arg16 : memref<!tpu.dma_semaphore, #tpu.memory_space<semaphore_mem>>) {add = true}
      %mul3A_63 = arith.constant 2 : i32
      %mul3A_64 = arith.muli %mul3A_63, %scan3A_44 : i32
      %add3A_65 = arith.constant 1 : i32
      %add3A_66 = arith.addi %mul3A_64, %add3A_65 : i32
      %add3A_67 = arith.constant 1 : i32
      %add3A_68 = arith.addi %add3A_66, %add3A_67 : i32
      %lt3A_69 = arith.constant 250 : i32
      %lt3A_70 = arith.cmpi slt, %add3A_68, %lt3A_69 : i32
      %convert_element_type3A_71 = arith.extui %lt3A_70 : i1 to i32
      %cond3A_72 = arith.constant 0 : i32
      %cond3A_73 = arith.cmpi ne, %convert_element_type3A_71, %cond3A_72 : i32
      scf.if %cond3A_73 {
        %add3A_84 = arith.constant 1 : i32
        %add3A_85 = arith.addi %add3A_66, %add3A_84 : i32
        %mul3A_86 = arith.constant 80 : i32
        %mul3A_87 = arith.muli %add3A_85, %mul3A_86 : i32
        %add3A_88 = arith.addi %mul3A_6, %mul3A_87 : i32
        %dma_start3A_89 = tpu.memref_slice %arg3[%add3A_88] : memref<640000xi32, #tpu.memory_space<hbm>> -> memref<80xi32, #tpu.memory_space<hbm>>
        %dma_start3A_90 = tpu.memref_slice %arg3[%add3A_88] : memref<640000xi32, #tpu.memory_space<hbm>> -> memref<80xi32, #tpu.memory_space<hbm>>
        tpu.enqueue_dma source(%dma_start3A_90 : memref<80xi32, #tpu.memory_space<hbm>>) target(%arg7 : memref<80xi32, #tpu.memory_space<vmem>>) target_semaphore(%arg18 : memref<!tpu.dma_semaphore, #tpu.memory_space<semaphore_mem>>)
        %ge3A = arith.constant 1 : i32
        %ge3A_91 = arith.cmpi sge, %add3A_66, %ge3A : i32
        %convert_element_type3A_92 = arith.extui %ge3A_91 : i1 to i32
        %cond3A_93 = arith.constant 0 : i32
        %cond3A_94 = arith.cmpi ne, %convert_element_type3A_92, %cond3A_93 : i32
        scf.if %cond3A_94 {
          %dma_wait3A_113 = arith.constant 0 : i32
          %dma_wait3A_114 = arith.constant 0 : i32
          %dma_wait3A_115 = tpu.memref_slice %arg13[%dma_wait3A_113, %dma_wait3A_114] : memref<10240x128xf32, #tpu.memory_space<vmem_shared>> -> memref<10240x128xf32, #tpu.memory_space<vmem_shared>>
          tpu.wait_indirect_dma semaphore(%arg16 : memref<!tpu.dma_semaphore, #tpu.memory_space<semaphore_mem>>) src(%arg11 : memref<80x128xf32, #tpu.memory_space<vmem>>) dst(%dma_wait3A_115 : memref<10240x128xf32, #tpu.memory_space<vmem_shared>>)
        } else {
        }
        %add3A_95 = arith.constant 1 : i32
        %add3A_96 = arith.addi %add3A_66, %add3A_95 : i32
        %mul3A_97 = arith.constant 80 : i32
        %mul3A_98 = arith.muli %add3A_96, %mul3A_97 : i32
        %add3A_99 = arith.addi %mul3A_6, %mul3A_98 : i32
        %dma_start3A_100 = tpu.memref_slice %arg4[%add3A_99] : memref<640000xi32, #tpu.memory_space<hbm>> -> memref<80xi32, #tpu.memory_space<hbm>>
        %dma_start3A_101 = tpu.memref_slice %arg4[%add3A_99] : memref<640000xi32, #tpu.memory_space<hbm>> -> memref<80xi32, #tpu.memory_space<hbm>>
        tpu.enqueue_dma source(%dma_start3A_101 : memref<80xi32, #tpu.memory_space<hbm>>) target(%arg9 : memref<80xi32, #tpu.memory_space<vmem>>) target_semaphore(%arg18 : memref<!tpu.dma_semaphore, #tpu.memory_space<semaphore_mem>>)
        %dma_wait3A_102 = arith.constant 0 : i32
        %dma_wait3A_103 = tpu.memref_slice %arg3[%dma_wait3A_102] : memref<640000xi32, #tpu.memory_space<hbm>> -> memref<80xi32, #tpu.memory_space<hbm>>
        %dma_wait3A_104 = arith.constant 0 : i32
        %dma_wait3A_105 = tpu.memref_slice %arg3[%dma_wait3A_104] : memref<640000xi32, #tpu.memory_space<hbm>> -> memref<80xi32, #tpu.memory_space<hbm>>
        tpu.wait_dma2 semaphore(%arg18 : memref<!tpu.dma_semaphore, #tpu.memory_space<semaphore_mem>>) src(%dma_wait3A_105 : memref<80xi32, #tpu.memory_space<hbm>>) dst(%arg7 : memref<80xi32, #tpu.memory_space<vmem>>)
        %dma_wait3A_106 = arith.constant 0 : i32
        %dma_wait3A_107 = tpu.memref_slice %arg4[%dma_wait3A_106] : memref<640000xi32, #tpu.memory_space<hbm>> -> memref<80xi32, #tpu.memory_space<hbm>>
        %dma_wait3A_108 = arith.constant 0 : i32
        %dma_wait3A_109 = tpu.memref_slice %arg4[%dma_wait3A_108] : memref<640000xi32, #tpu.memory_space<hbm>> -> memref<80xi32, #tpu.memory_space<hbm>>
        tpu.wait_dma2 semaphore(%arg18 : memref<!tpu.dma_semaphore, #tpu.memory_space<semaphore_mem>>) src(%dma_wait3A_109 : memref<80xi32, #tpu.memory_space<hbm>>) dst(%arg9 : memref<80xi32, #tpu.memory_space<vmem>>)
        %dma_start3A_110 = arith.constant 0 : i32
        %dma_start3A_111 = arith.constant 0 : i32
        %dma_start3A_112 = tpu.memref_slice %arg2[%dma_start3A_110, %dma_start3A_111] : memref<10240x128xf32, #tpu.memory_space<hbm>> -> memref<10240x128xf32, #tpu.memory_space<hbm>>
        tpu.enqueue_indirect_dma source(%dma_start3A_112 : memref<10240x128xf32, #tpu.memory_space<hbm>>) target(%arg11 : memref<80x128xf32, #tpu.memory_space<vmem>>) offsets(%arg7 : memref<80xi32, #tpu.memory_space<vmem>>) semaphore(%arg14 : memref<!tpu.dma_semaphore, #tpu.memory_space<semaphore_mem>>)
      } else {
      }
      %dma_wait3A_74 = arith.constant 0 : i32
      %dma_wait3A_75 = arith.constant 0 : i32
      %dma_wait3A_76 = tpu.memref_slice %arg5[%dma_wait3A_74, %dma_wait3A_75] : memref<10240x128xf32, #tpu.memory_space<hbm>> -> memref<80x128xf32, #tpu.memory_space<hbm>>
      %dma_wait3A_77 = arith.constant 0 : i32
      %dma_wait3A_78 = arith.constant 0 : i32
      %dma_wait3A_79 = tpu.memref_slice %arg5[%dma_wait3A_77, %dma_wait3A_78] : memref<10240x128xf32, #tpu.memory_space<hbm>> -> memref<80x128xf32, #tpu.memory_space<hbm>>
      tpu.wait_dma2 semaphore(%arg15 : memref<!tpu.dma_semaphore, #tpu.memory_space<semaphore_mem>>) src(%dma_wait3A_79 : memref<80x128xf32, #tpu.memory_space<hbm>>) dst(%arg12 : memref<80x128xf32, #tpu.memory_space<vmem>>)
      %dma_start3A_80 = arith.constant 0 : i32
      %dma_start3A_81 = arith.constant 0 : i32
      %dma_start3A_82 = tpu.memref_slice %arg13[%dma_start3A_80, %dma_start3A_81] : memref<10240x128xf32, #tpu.memory_space<vmem_shared>> -> memref<10240x128xf32, #tpu.memory_space<vmem_shared>>
      tpu.enqueue_indirect_dma source(%arg12 : memref<80x128xf32, #tpu.memory_space<vmem>>) target(%dma_start3A_82 : memref<10240x128xf32, #tpu.memory_space<vmem_shared>>) offsets(%arg10 : memref<80xi32, #tpu.memory_space<vmem>>) semaphore(%arg17 : memref<!tpu.dma_semaphore, #tpu.memory_space<semaphore_mem>>) {add = true}
      %scan3A_83 = arith.constant 0 : i32
      scf.yield %scan3A_83 : i32
    }
    %scan3A_29 = arith.constant 125 : i32
    %dma_wait3A_30 = arith.constant 0 : i32
    %dma_wait3A_31 = arith.constant 0 : i32
    %dma_wait3A_32 = tpu.memref_slice %arg13[%dma_wait3A_30, %dma_wait3A_31] : memref<10240x128xf32, #tpu.memory_space<vmem_shared>> -> memref<10240x128xf32, #tpu.memory_space<vmem_shared>>
    tpu.wait_indirect_dma semaphore(%arg16 : memref<!tpu.dma_semaphore, #tpu.memory_space<semaphore_mem>>) src(%arg11 : memref<80x128xf32, #tpu.memory_space<vmem>>) dst(%dma_wait3A_32 : memref<10240x128xf32, #tpu.memory_space<vmem_shared>>)
    %dma_wait3A_33 = arith.constant 0 : i32
    %dma_wait3A_34 = arith.constant 0 : i32
    %dma_wait3A_35 = tpu.memref_slice %arg13[%dma_wait3A_33, %dma_wait3A_34] : memref<10240x128xf32, #tpu.memory_space<vmem_shared>> -> memref<10240x128xf32, #tpu.memory_space<vmem_shared>>
    tpu.wait_indirect_dma semaphore(%arg17 : memref<!tpu.dma_semaphore, #tpu.memory_space<semaphore_mem>>) src(%arg12 : memref<80x128xf32, #tpu.memory_space<vmem>>) dst(%dma_wait3A_35 : memref<10240x128xf32, #tpu.memory_space<vmem_shared>>)
    %barrier3A_36 = arith.constant 0 : index
    tpu.barrier barrier_id(%barrier3A_36)
    %mul3A_37 = arith.constant 640 : i32
    %mul3A_38 = arith.muli %arg1, %mul3A_37 : i32
    %mul3A_39 = arith.constant 10240 : i32
    %mul3A_40 = arith.muli %arg0, %mul3A_39 : i32
    %mul3A_41 = arith.constant 640 : i32
    %mul3A_42 = arith.muli %arg1, %mul3A_41 : i32
    %add3A_43 = arith.addi %mul3A_40, %mul3A_42 : i32
    "tpu.region"() ({
      %run_scoped3A = tpu.sem_alloc : memref<!tpu.dma_semaphore, #tpu.memory_space<semaphore_mem>>
      %dma_start3A_44 = arith.constant 0 : i32
      %dma_start3A_45 = tpu.memref_slice %arg6[%add3A_43, %dma_start3A_44] : memref<20480x128xf32, #tpu.memory_space<hbm>> -> memref<640x128xf32, #tpu.memory_space<hbm>>
      %dma_start3A_46 = arith.constant 0 : i32
      %dma_start3A_47 = tpu.memref_slice %arg13[%mul3A_38, %dma_start3A_46] : memref<10240x128xf32, #tpu.memory_space<vmem_shared>> -> memref<640x128xf32, #tpu.memory_space<vmem_shared>>
      tpu.enqueue_dma source(%dma_start3A_47 : memref<640x128xf32, #tpu.memory_space<vmem_shared>>) target(%dma_start3A_45 : memref<640x128xf32, #tpu.memory_space<hbm>>) target_semaphore(%run_scoped3A : memref<!tpu.dma_semaphore, #tpu.memory_space<semaphore_mem>>)
      %dma_wait3A_48 = arith.constant 0 : i32
      %dma_wait3A_49 = tpu.memref_slice %arg6[%add3A_43, %dma_wait3A_48] : memref<20480x128xf32, #tpu.memory_space<hbm>> -> memref<640x128xf32, #tpu.memory_space<hbm>>
      %dma_wait3A_50 = arith.constant 0 : i32
      %dma_wait3A_51 = tpu.memref_slice %arg13[%mul3A_38, %dma_wait3A_50] : memref<10240x128xf32, #tpu.memory_space<vmem_shared>> -> memref<640x128xf32, #tpu.memory_space<vmem_shared>>
      tpu.wait_dma2 semaphore(%run_scoped3A : memref<!tpu.dma_semaphore, #tpu.memory_space<semaphore_mem>>) src(%dma_wait3A_51 : memref<640x128xf32, #tpu.memory_space<vmem_shared>>) dst(%dma_wait3A_49 : memref<640x128xf32, #tpu.memory_space<hbm>>)
      tpu.yield
    }) : () -> ()
    return
  }
}

#map = affine_map<(d0, d1) -> (0, 0)>
#map1 = affine_map<(d0, d1) -> (0)>
module attributes {stable_mosaic.version = 14 : i64} {
  func.func @k(%arg0: i32, %arg1: i32, %arg2: memref<10240x128xf32, #tpu.memory_space<hbm>>, %arg3: memref<640000xi32, #tpu.memory_space<hbm>>, %arg4: memref<640000xi32, #tpu.memory_space<hbm>>, %arg5: memref<10240x128xf32, #tpu.memory_space<hbm>>, %arg6: memref<20480x128xf32, #tpu.memory_space<hbm>>, %arg7: memref<80xi32, #tpu.memory_space<vmem>>, %arg8: memref<80xi32, #tpu.memory_space<vmem>>, %arg9: memref<80xi32, #tpu.memory_space<vmem>>, %arg10: memref<80xi32, #tpu.memory_space<vmem>>, %arg11: memref<80x128xf32, #tpu.memory_space<vmem>>, %arg12: memref<80x128xf32, #tpu.memory_space<vmem>>, %arg13: memref<10240x128xf32, #tpu.memory_space<vmem_shared>>, %arg14: memref<!tpu.dma_semaphore, #tpu.memory_space<semaphore_mem>>, %arg15: memref<!tpu.dma_semaphore, #tpu.memory_space<semaphore_mem>>, %arg16: memref<!tpu.dma_semaphore, #tpu.memory_space<semaphore_mem>>, %arg17: memref<!tpu.dma_semaphore, #tpu.memory_space<semaphore_mem>>, %arg18: memref<!tpu.dma_semaphore, #tpu.memory_space<semaphore_mem>>, %arg19: memref<!tpu.dma_semaphore, #tpu.memory_space<semaphore_mem>>) attributes {dimension_semantics = [#tpu.dimension_semantics<core_parallel>, #tpu.dimension_semantics<subcore_parallel>], iteration_bounds = array<i64: 2, 16>, scalar_prefetch = 0 : i64, scratch_operands = 13 : i64, tpu.core_type = #tpu.core_type<sc_vector_subcore>, window_params = [{transform_indices = #map}, {transform_indices = #map1}, {transform_indices = #map1}, {transform_indices = #map}, {transform_indices = #map}]} {
    %mul3A = arith.constant 16 : i32
    %mul3A_0 = arith.muli %arg0, %mul3A : i32
    %add3A = arith.addi %mul3A_0, %arg1 : i32
    %mul3A_1 = arith.constant 640 : i32
    %mul3A_2 = arith.muli %arg1, %mul3A_1 : i32
    %mul3A_3 = arith.constant 640 : i32
    %mul3A_4 = arith.muli %arg1, %mul3A_3 : i32
    "tpu.region"() ({
      %run_scoped3A = tpu.sem_alloc : memref<!tpu.dma_semaphore, #tpu.memory_space<semaphore_mem>>
      %dma_start3A_44 = arith.constant 0 : i32
      %dma_start3A_45 = tpu.memref_slice %arg13[%mul3A_4, %dma_start3A_44] : memref<10240x128xf32, #tpu.memory_space<vmem_shared>> -> memref<640x128xf32, #tpu.memory_space<vmem_shared>>
      %dma_start3A_46 = arith.constant 0 : i32
      %dma_start3A_47 = tpu.memref_slice %arg5[%mul3A_2, %dma_start3A_46] : memref<10240x128xf32, #tpu.memory_space<hbm>> -> memref<640x128xf32, #tpu.memory_space<hbm>>
      tpu.enqueue_dma source(%dma_start3A_47 : memref<640x128xf32, #tpu.memory_space<hbm>>) target(%dma_start3A_45 : memref<640x128xf32, #tpu.memory_space<vmem_shared>>) target_semaphore(%run_scoped3A : memref<!tpu.dma_semaphore, #tpu.memory_space<semaphore_mem>>)
      %dma_wait3A_48 = arith.constant 0 : i32
      %dma_wait3A_49 = tpu.memref_slice %arg13[%mul3A_4, %dma_wait3A_48] : memref<10240x128xf32, #tpu.memory_space<vmem_shared>> -> memref<640x128xf32, #tpu.memory_space<vmem_shared>>
      %dma_wait3A_50 = arith.constant 0 : i32
      %dma_wait3A_51 = tpu.memref_slice %arg5[%mul3A_2, %dma_wait3A_50] : memref<10240x128xf32, #tpu.memory_space<hbm>> -> memref<640x128xf32, #tpu.memory_space<hbm>>
      tpu.wait_dma2 semaphore(%run_scoped3A : memref<!tpu.dma_semaphore, #tpu.memory_space<semaphore_mem>>) src(%dma_wait3A_51 : memref<640x128xf32, #tpu.memory_space<hbm>>) dst(%dma_wait3A_49 : memref<640x128xf32, #tpu.memory_space<vmem_shared>>)
      tpu.yield
    }) : () -> ()
    %barrier3A = arith.constant 0 : index
    tpu.barrier barrier_id(%barrier3A)
    %mul3A_5 = arith.constant 20000 : i32
    %mul3A_6 = arith.muli %add3A, %mul3A_5 : i32
    %add3A_7 = arith.constant 0 : i32
    %add3A_8 = arith.addi %mul3A_6, %add3A_7 : i32
    %dma_start3A = tpu.memref_slice %arg3[%add3A_8] : memref<640000xi32, #tpu.memory_space<hbm>> -> memref<80xi32, #tpu.memory_space<hbm>>
    %dma_start3A_9 = tpu.memref_slice %arg3[%add3A_8] : memref<640000xi32, #tpu.memory_space<hbm>> -> memref<80xi32, #tpu.memory_space<hbm>>
    tpu.enqueue_dma source(%dma_start3A_9 : memref<80xi32, #tpu.memory_space<hbm>>) target(%arg7 : memref<80xi32, #tpu.memory_space<vmem>>) target_semaphore(%arg18 : memref<!tpu.dma_semaphore, #tpu.memory_space<semaphore_mem>>)
    %add3A_10 = arith.constant 0 : i32
    %add3A_11 = arith.addi %mul3A_6, %add3A_10 : i32
    %dma_start3A_12 = tpu.memref_slice %arg4[%add3A_11] : memref<640000xi32, #tpu.memory_space<hbm>> -> memref<80xi32, #tpu.memory_space<hbm>>
    %dma_start3A_13 = tpu.memref_slice %arg4[%add3A_11] : memref<640000xi32, #tpu.memory_space<hbm>> -> memref<80xi32, #tpu.memory_space<hbm>>
    tpu.enqueue_dma source(%dma_start3A_13 : memref<80xi32, #tpu.memory_space<hbm>>) target(%arg9 : memref<80xi32, #tpu.memory_space<vmem>>) target_semaphore(%arg18 : memref<!tpu.dma_semaphore, #tpu.memory_space<semaphore_mem>>)
    %dma_wait3A = arith.constant 0 : i32
    %dma_wait3A_14 = tpu.memref_slice %arg3[%dma_wait3A] : memref<640000xi32, #tpu.memory_space<hbm>> -> memref<80xi32, #tpu.memory_space<hbm>>
    %dma_wait3A_15 = arith.constant 0 : i32
    %dma_wait3A_16 = tpu.memref_slice %arg3[%dma_wait3A_15] : memref<640000xi32, #tpu.memory_space<hbm>> -> memref<80xi32, #tpu.memory_space<hbm>>
    tpu.wait_dma2 semaphore(%arg18 : memref<!tpu.dma_semaphore, #tpu.memory_space<semaphore_mem>>) src(%dma_wait3A_16 : memref<80xi32, #tpu.memory_space<hbm>>) dst(%arg7 : memref<80xi32, #tpu.memory_space<vmem>>)
    %dma_wait3A_17 = arith.constant 0 : i32
    %dma_wait3A_18 = tpu.memref_slice %arg4[%dma_wait3A_17] : memref<640000xi32, #tpu.memory_space<hbm>> -> memref<80xi32, #tpu.memory_space<hbm>>
    %dma_wait3A_19 = arith.constant 0 : i32
    %dma_wait3A_20 = tpu.memref_slice %arg4[%dma_wait3A_19] : memref<640000xi32, #tpu.memory_space<hbm>> -> memref<80xi32, #tpu.memory_space<hbm>>
    tpu.wait_dma2 semaphore(%arg18 : memref<!tpu.dma_semaphore, #tpu.memory_space<semaphore_mem>>) src(%dma_wait3A_20 : memref<80xi32, #tpu.memory_space<hbm>>) dst(%arg9 : memref<80xi32, #tpu.memory_space<vmem>>)
    %dma_start3A_21 = arith.constant 0 : i32
    %dma_start3A_22 = arith.constant 0 : i32
    %dma_start3A_23 = tpu.memref_slice %arg2[%dma_start3A_21, %dma_start3A_22] : memref<10240x128xf32, #tpu.memory_space<hbm>> -> memref<10240x128xf32, #tpu.memory_space<hbm>>
    tpu.enqueue_indirect_dma source(%dma_start3A_23 : memref<10240x128xf32, #tpu.memory_space<hbm>>) target(%arg11 : memref<80x128xf32, #tpu.memory_space<vmem>>) offsets(%arg7 : memref<80xi32, #tpu.memory_space<vmem>>) semaphore(%arg14 : memref<!tpu.dma_semaphore, #tpu.memory_space<semaphore_mem>>)
    %scan3A = arith.constant 0 : i32
    %scan3A_24 = arith.constant 0 : i32
    %scan3A_25 = arith.constant 125 : i32
    %scan3A_26 = arith.addi %scan3A_24, %scan3A_25 : i32
    %scan3A_27 = arith.constant 1 : i32
    %scan3A_28 = scf.for %scan3A_44 = %scan3A_24 to %scan3A_26 step %scan3A_27 iter_args(%scan3A_45 = %scan3A) -> (i32)  : i32 {
      %mul3A_46 = arith.constant 2 : i32
      %mul3A_47 = arith.muli %mul3A_46, %scan3A_44 : i32
      %add3A_48 = arith.constant 0 : i32
      %add3A_49 = arith.addi %mul3A_47, %add3A_48 : i32
      %add3A_50 = arith.constant 1 : i32
      %add3A_51 = arith.addi %add3A_49, %add3A_50 : i32
      %lt3A = arith.constant 250 : i32
      %lt3A_52 = arith.cmpi slt, %add3A_51, %lt3A : i32
      %convert_element_type3A = arith.extui %lt3A_52 : i1 to i32
      %cond3A = arith.constant 0 : i32
      %cond3A_53 = arith.cmpi ne, %convert_element_type3A, %cond3A : i32
      scf.if %cond3A_53 {
        %add3A_84 = arith.constant 1 : i32
        %add3A_85 = arith.addi %add3A_49, %add3A_84 : i32
        %mul3A_86 = arith.constant 80 : i32
        %mul3A_87 = arith.muli %add3A_85, %mul3A_86 : i32
        %add3A_88 = arith.addi %mul3A_6, %mul3A_87 : i32
        %dma_start3A_89 = tpu.memref_slice %arg3[%add3A_88] : memref<640000xi32, #tpu.memory_space<hbm>> -> memref<80xi32, #tpu.memory_space<hbm>>
        %dma_start3A_90 = tpu.memref_slice %arg3[%add3A_88] : memref<640000xi32, #tpu.memory_space<hbm>> -> memref<80xi32, #tpu.memory_space<hbm>>
        tpu.enqueue_dma source(%dma_start3A_90 : memref<80xi32, #tpu.memory_space<hbm>>) target(%arg8 : memref<80xi32, #tpu.memory_space<vmem>>) target_semaphore(%arg19 : memref<!tpu.dma_semaphore, #tpu.memory_space<semaphore_mem>>)
        %ge3A = arith.constant 1 : i32
        %ge3A_91 = arith.cmpi sge, %add3A_49, %ge3A : i32
        %convert_element_type3A_92 = arith.extui %ge3A_91 : i1 to i32
        %cond3A_93 = arith.constant 0 : i32
        %cond3A_94 = arith.cmpi ne, %convert_element_type3A_92, %cond3A_93 : i32
        scf.if %cond3A_94 {
          %dma_wait3A_113 = arith.constant 0 : i32
          %dma_wait3A_114 = arith.constant 0 : i32
          %dma_wait3A_115 = tpu.memref_slice %arg13[%dma_wait3A_113, %dma_wait3A_114] : memref<10240x128xf32, #tpu.memory_space<vmem_shared>> -> memref<10240x128xf32, #tpu.memory_space<vmem_shared>>
          tpu.wait_indirect_dma semaphore(%arg17 : memref<!tpu.dma_semaphore, #tpu.memory_space<semaphore_mem>>) src(%arg12 : memref<80x128xf32, #tpu.memory_space<vmem>>) dst(%dma_wait3A_115 : memref<10240x128xf32, #tpu.memory_space<vmem_shared>>)
        } else {
        }
        %add3A_95 = arith.constant 1 : i32
        %add3A_96 = arith.addi %add3A_49, %add3A_95 : i32
        %mul3A_97 = arith.constant 80 : i32
        %mul3A_98 = arith.muli %add3A_96, %mul3A_97 : i32
        %add3A_99 = arith.addi %mul3A_6, %mul3A_98 : i32
        %dma_start3A_100 = tpu.memref_slice %arg4[%add3A_99] : memref<640000xi32, #tpu.memory_space<hbm>> -> memref<80xi32, #tpu.memory_space<hbm>>
        %dma_start3A_101 = tpu.memref_slice %arg4[%add3A_99] : memref<640000xi32, #tpu.memory_space<hbm>> -> memref<80xi32, #tpu.memory_space<hbm>>
        tpu.enqueue_dma source(%dma_start3A_101 : memref<80xi32, #tpu.memory_space<hbm>>) target(%arg10 : memref<80xi32, #tpu.memory_space<vmem>>) target_semaphore(%arg19 : memref<!tpu.dma_semaphore, #tpu.memory_space<semaphore_mem>>)
        %dma_wait3A_102 = arith.constant 0 : i32
        %dma_wait3A_103 = tpu.memref_slice %arg3[%dma_wait3A_102] : memref<640000xi32, #tpu.memory_space<hbm>> -> memref<80xi32, #tpu.memory_space<hbm>>
        %dma_wait3A_104 = arith.constant 0 : i32
        %dma_wait3A_105 = tpu.memref_slice %arg3[%dma_wait3A_104] : memref<640000xi32, #tpu.memory_space<hbm>> -> memref<80xi32, #tpu.memory_space<hbm>>
        tpu.wait_dma2 semaphore(%arg19 : memref<!tpu.dma_semaphore, #tpu.memory_space<semaphore_mem>>) src(%dma_wait3A_105 : memref<80xi32, #tpu.memory_space<hbm>>) dst(%arg8 : memref<80xi32, #tpu.memory_space<vmem>>)
        %dma_wait3A_106 = arith.constant 0 : i32
        %dma_wait3A_107 = tpu.memref_slice %arg4[%dma_wait3A_106] : memref<640000xi32, #tpu.memory_space<hbm>> -> memref<80xi32, #tpu.memory_space<hbm>>
        %dma_wait3A_108 = arith.constant 0 : i32
        %dma_wait3A_109 = tpu.memref_slice %arg4[%dma_wait3A_108] : memref<640000xi32, #tpu.memory_space<hbm>> -> memref<80xi32, #tpu.memory_space<hbm>>
        tpu.wait_dma2 semaphore(%arg19 : memref<!tpu.dma_semaphore, #tpu.memory_space<semaphore_mem>>) src(%dma_wait3A_109 : memref<80xi32, #tpu.memory_space<hbm>>) dst(%arg10 : memref<80xi32, #tpu.memory_space<vmem>>)
        %dma_start3A_110 = arith.constant 0 : i32
        %dma_start3A_111 = arith.constant 0 : i32
        %dma_start3A_112 = tpu.memref_slice %arg2[%dma_start3A_110, %dma_start3A_111] : memref<10240x128xf32, #tpu.memory_space<hbm>> -> memref<10240x128xf32, #tpu.memory_space<hbm>>
        tpu.enqueue_indirect_dma source(%dma_start3A_112 : memref<10240x128xf32, #tpu.memory_space<hbm>>) target(%arg12 : memref<80x128xf32, #tpu.memory_space<vmem>>) offsets(%arg8 : memref<80xi32, #tpu.memory_space<vmem>>) semaphore(%arg15 : memref<!tpu.dma_semaphore, #tpu.memory_space<semaphore_mem>>)
      } else {
      }
      %dma_wait3A_54 = arith.constant 0 : i32
      %dma_wait3A_55 = arith.constant 0 : i32
      %dma_wait3A_56 = tpu.memref_slice %arg5[%dma_wait3A_54, %dma_wait3A_55] : memref<10240x128xf32, #tpu.memory_space<hbm>> -> memref<80x128xf32, #tpu.memory_space<hbm>>
      %dma_wait3A_57 = arith.constant 0 : i32
      %dma_wait3A_58 = arith.constant 0 : i32
      %dma_wait3A_59 = tpu.memref_slice %arg5[%dma_wait3A_57, %dma_wait3A_58] : memref<10240x128xf32, #tpu.memory_space<hbm>> -> memref<80x128xf32, #tpu.memory_space<hbm>>
      tpu.wait_dma2 semaphore(%arg14 : memref<!tpu.dma_semaphore, #tpu.memory_space<semaphore_mem>>) src(%dma_wait3A_59 : memref<80x128xf32, #tpu.memory_space<hbm>>) dst(%arg11 : memref<80x128xf32, #tpu.memory_space<vmem>>)
      %dma_start3A_60 = arith.constant 0 : i32
      %dma_start3A_61 = arith.constant 0 : i32
      %dma_start3A_62 = tpu.memref_slice %arg13[%dma_start3A_60, %dma_start3A_61] : memref<10240x128xf32, #tpu.memory_space<vmem_shared>> -> memref<10240x128xf32, #tpu.memory_space<vmem_shared>>
      tpu.enqueue_indirect_dma source(%arg11 : memref<80x128xf32, #tpu.memory_space<vmem>>) target(%dma_start3A_62 : memref<10240x128xf32, #tpu.memory_space<vmem_shared>>) offsets(%arg9 : memref<80xi32, #tpu.memory_space<vmem>>) semaphore(%arg16 : memref<!tpu.dma_semaphore, #tpu.memory_space<semaphore_mem>>) {add = true}
      %mul3A_63 = arith.constant 2 : i32
      %mul3A_64 = arith.muli %mul3A_63, %scan3A_44 : i32
      %add3A_65 = arith.constant 1 : i32
      %add3A_66 = arith.addi %mul3A_64, %add3A_65 : i32
      %add3A_67 = arith.constant 1 : i32
      %add3A_68 = arith.addi %add3A_66, %add3A_67 : i32
      %lt3A_69 = arith.constant 250 : i32
      %lt3A_70 = arith.cmpi slt, %add3A_68, %lt3A_69 : i32
      %convert_element_type3A_71 = arith.extui %lt3A_70 : i1 to i32
      %cond3A_72 = arith.constant 0 : i32
      %cond3A_73 = arith.cmpi ne, %convert_element_type3A_71, %cond3A_72 : i32
      scf.if %cond3A_73 {
        %add3A_84 = arith.constant 1 : i32
        %add3A_85 = arith.addi %add3A_66, %add3A_84 : i32
        %mul3A_86 = arith.constant 80 : i32
        %mul3A_87 = arith.muli %add3A_85, %mul3A_86 : i32
        %add3A_88 = arith.addi %mul3A_6, %mul3A_87 : i32
        %dma_start3A_89 = tpu.memref_slice %arg3[%add3A_88] : memref<640000xi32, #tpu.memory_space<hbm>> -> memref<80xi32, #tpu.memory_space<hbm>>
        %dma_start3A_90 = tpu.memref_slice %arg3[%add3A_88] : memref<640000xi32, #tpu.memory_space<hbm>> -> memref<80xi32, #tpu.memory_space<hbm>>
        tpu.enqueue_dma source(%dma_start3A_90 : memref<80xi32, #tpu.memory_space<hbm>>) target(%arg7 : memref<80xi32, #tpu.memory_space<vmem>>) target_semaphore(%arg18 : memref<!tpu.dma_semaphore, #tpu.memory_space<semaphore_mem>>)
        %ge3A = arith.constant 1 : i32
        %ge3A_91 = arith.cmpi sge, %add3A_66, %ge3A : i32
        %convert_element_type3A_92 = arith.extui %ge3A_91 : i1 to i32
        %cond3A_93 = arith.constant 0 : i32
        %cond3A_94 = arith.cmpi ne, %convert_element_type3A_92, %cond3A_93 : i32
        scf.if %cond3A_94 {
          %dma_wait3A_113 = arith.constant 0 : i32
          %dma_wait3A_114 = arith.constant 0 : i32
          %dma_wait3A_115 = tpu.memref_slice %arg13[%dma_wait3A_113, %dma_wait3A_114] : memref<10240x128xf32, #tpu.memory_space<vmem_shared>> -> memref<10240x128xf32, #tpu.memory_space<vmem_shared>>
          tpu.wait_indirect_dma semaphore(%arg16 : memref<!tpu.dma_semaphore, #tpu.memory_space<semaphore_mem>>) src(%arg11 : memref<80x128xf32, #tpu.memory_space<vmem>>) dst(%dma_wait3A_115 : memref<10240x128xf32, #tpu.memory_space<vmem_shared>>)
        } else {
        }
        %add3A_95 = arith.constant 1 : i32
        %add3A_96 = arith.addi %add3A_66, %add3A_95 : i32
        %mul3A_97 = arith.constant 80 : i32
        %mul3A_98 = arith.muli %add3A_96, %mul3A_97 : i32
        %add3A_99 = arith.addi %mul3A_6, %mul3A_98 : i32
        %dma_start3A_100 = tpu.memref_slice %arg4[%add3A_99] : memref<640000xi32, #tpu.memory_space<hbm>> -> memref<80xi32, #tpu.memory_space<hbm>>
        %dma_start3A_101 = tpu.memref_slice %arg4[%add3A_99] : memref<640000xi32, #tpu.memory_space<hbm>> -> memref<80xi32, #tpu.memory_space<hbm>>
        tpu.enqueue_dma source(%dma_start3A_101 : memref<80xi32, #tpu.memory_space<hbm>>) target(%arg9 : memref<80xi32, #tpu.memory_space<vmem>>) target_semaphore(%arg18 : memref<!tpu.dma_semaphore, #tpu.memory_space<semaphore_mem>>)
        %dma_wait3A_102 = arith.constant 0 : i32
        %dma_wait3A_103 = tpu.memref_slice %arg3[%dma_wait3A_102] : memref<640000xi32, #tpu.memory_space<hbm>> -> memref<80xi32, #tpu.memory_space<hbm>>
        %dma_wait3A_104 = arith.constant 0 : i32
        %dma_wait3A_105 = tpu.memref_slice %arg3[%dma_wait3A_104] : memref<640000xi32, #tpu.memory_space<hbm>> -> memref<80xi32, #tpu.memory_space<hbm>>
        tpu.wait_dma2 semaphore(%arg18 : memref<!tpu.dma_semaphore, #tpu.memory_space<semaphore_mem>>) src(%dma_wait3A_105 : memref<80xi32, #tpu.memory_space<hbm>>) dst(%arg7 : memref<80xi32, #tpu.memory_space<vmem>>)
        %dma_wait3A_106 = arith.constant 0 : i32
        %dma_wait3A_107 = tpu.memref_slice %arg4[%dma_wait3A_106] : memref<640000xi32, #tpu.memory_space<hbm>> -> memref<80xi32, #tpu.memory_space<hbm>>
        %dma_wait3A_108 = arith.constant 0 : i32
        %dma_wait3A_109 = tpu.memref_slice %arg4[%dma_wait3A_108] : memref<640000xi32, #tpu.memory_space<hbm>> -> memref<80xi32, #tpu.memory_space<hbm>>
        tpu.wait_dma2 semaphore(%arg18 : memref<!tpu.dma_semaphore, #tpu.memory_space<semaphore_mem>>) src(%dma_wait3A_109 : memref<80xi32, #tpu.memory_space<hbm>>) dst(%arg9 : memref<80xi32, #tpu.memory_space<vmem>>)
        %dma_start3A_110 = arith.constant 0 : i32
        %dma_start3A_111 = arith.constant 0 : i32
        %dma_start3A_112 = tpu.memref_slice %arg2[%dma_start3A_110, %dma_start3A_111] : memref<10240x128xf32, #tpu.memory_space<hbm>> -> memref<10240x128xf32, #tpu.memory_space<hbm>>
        tpu.enqueue_indirect_dma source(%dma_start3A_112 : memref<10240x128xf32, #tpu.memory_space<hbm>>) target(%arg11 : memref<80x128xf32, #tpu.memory_space<vmem>>) offsets(%arg7 : memref<80xi32, #tpu.memory_space<vmem>>) semaphore(%arg14 : memref<!tpu.dma_semaphore, #tpu.memory_space<semaphore_mem>>)
      } else {
      }
      %dma_wait3A_74 = arith.constant 0 : i32
      %dma_wait3A_75 = arith.constant 0 : i32
      %dma_wait3A_76 = tpu.memref_slice %arg5[%dma_wait3A_74, %dma_wait3A_75] : memref<10240x128xf32, #tpu.memory_space<hbm>> -> memref<80x128xf32, #tpu.memory_space<hbm>>
      %dma_wait3A_77 = arith.constant 0 : i32
      %dma_wait3A_78 = arith.constant 0 : i32
      %dma_wait3A_79 = tpu.memref_slice %arg5[%dma_wait3A_77, %dma_wait3A_78] : memref<10240x128xf32, #tpu.memory_space<hbm>> -> memref<80x128xf32, #tpu.memory_space<hbm>>
      tpu.wait_dma2 semaphore(%arg15 : memref<!tpu.dma_semaphore, #tpu.memory_space<semaphore_mem>>) src(%dma_wait3A_79 : memref<80x128xf32, #tpu.memory_space<hbm>>) dst(%arg12 : memref<80x128xf32, #tpu.memory_space<vmem>>)
      %dma_start3A_80 = arith.constant 0 : i32
      %dma_start3A_81 = arith.constant 0 : i32
      %dma_start3A_82 = tpu.memref_slice %arg13[%dma_start3A_80, %dma_start3A_81] : memref<10240x128xf32, #tpu.memory_space<vmem_shared>> -> memref<10240x128xf32, #tpu.memory_space<vmem_shared>>
      tpu.enqueue_indirect_dma source(%arg12 : memref<80x128xf32, #tpu.memory_space<vmem>>) target(%dma_start3A_82 : memref<10240x128xf32, #tpu.memory_space<vmem_shared>>) offsets(%arg10 : memref<80xi32, #tpu.memory_space<vmem>>) semaphore(%arg17 : memref<!tpu.dma_semaphore, #tpu.memory_space<semaphore_mem>>) {add = true}
      %scan3A_83 = arith.constant 0 : i32
      scf.yield %scan3A_83 : i32
    }
    %scan3A_29 = arith.constant 125 : i32
    %dma_wait3A_30 = arith.constant 0 : i32
    %dma_wait3A_31 = arith.constant 0 : i32
    %dma_wait3A_32 = tpu.memref_slice %arg13[%dma_wait3A_30, %dma_wait3A_31] : memref<10240x128xf32, #tpu.memory_space<vmem_shared>> -> memref<10240x128xf32, #tpu.memory_space<vmem_shared>>
    tpu.wait_indirect_dma semaphore(%arg16 : memref<!tpu.dma_semaphore, #tpu.memory_space<semaphore_mem>>) src(%arg11 : memref<80x128xf32, #tpu.memory_space<vmem>>) dst(%dma_wait3A_32 : memref<10240x128xf32, #tpu.memory_space<vmem_shared>>)
    %dma_wait3A_33 = arith.constant 0 : i32
    %dma_wait3A_34 = arith.constant 0 : i32
    %dma_wait3A_35 = tpu.memref_slice %arg13[%dma_wait3A_33, %dma_wait3A_34] : memref<10240x128xf32, #tpu.memory_space<vmem_shared>> -> memref<10240x128xf32, #tpu.memory_space<vmem_shared>>
    tpu.wait_indirect_dma semaphore(%arg17 : memref<!tpu.dma_semaphore, #tpu.memory_space<semaphore_mem>>) src(%arg12 : memref<80x128xf32, #tpu.memory_space<vmem>>) dst(%dma_wait3A_35 : memref<10240x128xf32, #tpu.memory_space<vmem_shared>>)
    %barrier3A_36 = arith.constant 0 : index
    tpu.barrier barrier_id(%barrier3A_36)
    %mul3A_37 = arith.constant 640 : i32
    %mul3A_38 = arith.muli %arg1, %mul3A_37 : i32
    %mul3A_39 = arith.constant 10240 : i32
    %mul3A_40 = arith.muli %arg0, %mul3A_39 : i32
    %mul3A_41 = arith.constant 640 : i32
    %mul3A_42 = arith.muli %arg1, %mul3A_41 : i32
    %add3A_43 = arith.addi %mul3A_40, %mul3A_42 : i32
    "tpu.region"() ({
      %run_scoped3A = tpu.sem_alloc : memref<!tpu.dma_semaphore, #tpu.memory_space<semaphore_mem>>
      %dma_start3A_44 = arith.constant 0 : i32
      %dma_start3A_45 = tpu.memref_slice %arg6[%add3A_43, %dma_start3A_44] : memref<20480x128xf32, #tpu.memory_space<hbm>> -> memref<640x128xf32, #tpu.memory_space<hbm>>
      %dma_start3A_46 = arith.constant 0 : i32
      %dma_start3A_47 = tpu.memref_slice %arg13[%mul3A_38, %dma_start3A_46] : memref<10240x128xf32, #tpu.memory_space<vmem_shared>> -> memref<640x128xf32, #tpu.memory_space<vmem_shared>>
      tpu.enqueue_dma source(%dma_start3A_47 : memref<640x128xf32, #tpu.memory_space<vmem_shared>>) target(%dma_start3A_45 : memref<640x128xf32, #tpu.memory_space<hbm>>) target_semaphore(%run_scoped3A : memref<!tpu.dma_semaphore, #tpu.memory_space<semaphore_mem>>)
      %dma_wait3A_48 = arith.constant 0 : i32
      %dma_wait3A_49 = tpu.memref_slice %arg6[%add3A_43, %dma_wait3A_48] : memref<20480x128xf32, #tpu.memory_space<hbm>> -> memref<640x128xf32, #tpu.memory_space<hbm>>
      %dma_wait3A_50 = arith.constant 0 : i32
      %dma_wait3A_51 = tpu.memref_slice %arg13[%mul3A_38, %dma_wait3A_50] : memref<10240x128xf32, #tpu.memory_space<vmem_shared>> -> memref<640x128xf32, #tpu.memory_space<vmem_shared>>
      tpu.wait_dma2 semaphore(%run_scoped3A : memref<!tpu.dma_semaphore, #tpu.memory_space<semaphore_mem>>) src(%dma_wait3A_51 : memref<640x128xf32, #tpu.memory_space<vmem_shared>>) dst(%dma_wait3A_49 : memref<640x128xf32, #tpu.memory_space<hbm>>)
      tpu.yield
    }) : () -> ()
    return
  }
}

module attributes {stable_mosaic.version = 14 : i64} {
  func.func @body(%arg0: i32, %arg1: memref<512x128xf32, #tpu.memory_space<vmem>>, %arg2: memref<512x128xf32, #tpu.memory_space<vmem>>, %arg3: memref<512x128xf32, #tpu.memory_space<vmem>>, %arg4: memref<128x128xf32, #tpu.memory_space<vmem>>, %arg5: memref<1x128xf32, #tpu.memory_space<vmem>>, %arg6: memref<128x128xf32, #tpu.memory_space<vmem>>, %arg7: memref<1x128xf32, #tpu.memory_space<vmem>>, %arg8: memref<512x128xf32, #tpu.memory_space<vmem>>) attributes {dimension_semantics = [#tpu.dimension_semantics<arbitrary>], iteration_bounds = array<i64: 20>, scalar_prefetch = 0 : i64, scratch_operands = 0 : i64, tpu.core_type = #tpu.core_type<tc>, window_params = [{transform_indices = @transform_0, window_bounds = array<i64: 512, 128>}, {transform_indices = @transform_1, window_bounds = array<i64: 512, 128>}, {transform_indices = @transform_2, window_bounds = array<i64: 512, 128>}, {pipeline_mode = #tpu.pipeline_mode<synchronous>, transform_indices = @transform_3, window_bounds = array<i64: 128, 128>}, {pipeline_mode = #tpu.pipeline_mode<synchronous>, transform_indices = @transform_4, window_bounds = array<i64: 1, 128>}, {pipeline_mode = #tpu.pipeline_mode<synchronous>, transform_indices = @transform_5, window_bounds = array<i64: 128, 128>}, {pipeline_mode = #tpu.pipeline_mode<synchronous>, transform_indices = @transform_6, window_bounds = array<i64: 1, 128>}, {transform_indices = @transform_7, window_bounds = array<i64: 512, 128>}]} {
    %get3A = arith.constant 0 : index
    %get3A_0 = arith.constant 0 : index
    %get3A_1 = vector.load %arg1[%get3A, %get3A_0] : memref<512x128xf32, #tpu.memory_space<vmem>>, vector<512x128xf32>
    %get3A_2 = arith.constant 0 : index
    %get3A_3 = arith.constant 0 : index
    %get3A_4 = vector.load %arg2[%get3A_2, %get3A_3] : memref<512x128xf32, #tpu.memory_space<vmem>>, vector<512x128xf32>
    %add3A = arith.addf %get3A_1, %get3A_4 : vector<512x128xf32>
    %get3A_5 = arith.constant 0 : index
    %get3A_6 = arith.constant 0 : index
    %get3A_7 = vector.load %arg3[%get3A_5, %get3A_6] : memref<512x128xf32, #tpu.memory_space<vmem>>, vector<512x128xf32>
    %add3A_8 = arith.addf %add3A, %get3A_7 : vector<512x128xf32>
    %get3A_9 = arith.constant 0 : index
    %get3A_10 = arith.constant 0 : index
    %get3A_11 = vector.load %arg4[%get3A_9, %get3A_10] : memref<128x128xf32, #tpu.memory_space<vmem>>, vector<128x128xf32>
    %dot_general3A = arith.constant dense<0.000000e+00> : vector<512x128xf32>
    %dot_general3A_12 = tpu.matmul %add3A_8, %get3A_11, %dot_general3A {dimension_numbers = #tpu.dot_dimension_numbers<[1], [0], [0], [1], [0, 0, 1, 1], [], []>, transpose_lhs_hint = false} : vector<512x128xf32>, vector<128x128xf32>, vector<512x128xf32> -> vector<512x128xf32>
    %get3A_13 = arith.constant 0 : index
    %get3A_14 = arith.constant 0 : index
    %get3A_15 = vector.load %arg5[%get3A_13, %get3A_14] : memref<1x128xf32, #tpu.memory_space<vmem>>, vector<1x128xf32>
    %add3A_16 = vector.broadcast %get3A_15 : vector<1x128xf32> to vector<512x128xf32>
    %add3A_17 = arith.addf %dot_general3A_12, %add3A_16 : vector<512x128xf32>
    %max3A = arith.constant 0.000000e+00 : f32
    %max3A_18 = vector.broadcast %max3A : f32 to vector<512x128xf32>
    %max3A_19 = arith.maximumf %add3A_17, %max3A_18 : vector<512x128xf32>
    %get3A_20 = arith.constant 0 : index
    %get3A_21 = arith.constant 0 : index
    %get3A_22 = vector.load %arg6[%get3A_20, %get3A_21] : memref<128x128xf32, #tpu.memory_space<vmem>>, vector<128x128xf32>
    %dot_general3A_23 = arith.constant dense<0.000000e+00> : vector<512x128xf32>
    %dot_general3A_24 = tpu.matmul %max3A_19, %get3A_22, %dot_general3A_23 {dimension_numbers = #tpu.dot_dimension_numbers<[1], [0], [0], [1], [0, 0, 1, 1], [], []>, transpose_lhs_hint = false} : vector<512x128xf32>, vector<128x128xf32>, vector<512x128xf32> -> vector<512x128xf32>
    %get3A_25 = arith.constant 0 : index
    %get3A_26 = arith.constant 0 : index
    %get3A_27 = vector.load %arg7[%get3A_25, %get3A_26] : memref<1x128xf32, #tpu.memory_space<vmem>>, vector<1x128xf32>
    %add3A_28 = vector.broadcast %get3A_27 : vector<1x128xf32> to vector<512x128xf32>
    %add3A_29 = arith.addf %dot_general3A_24, %add3A_28 : vector<512x128xf32>
    %max3A_30 = arith.constant 0.000000e+00 : f32
    %max3A_31 = vector.broadcast %max3A_30 : f32 to vector<512x128xf32>
    %max3A_32 = arith.maximumf %add3A_29, %max3A_31 : vector<512x128xf32>
    %swap3A = arith.constant 0 : index
    %swap3A_33 = arith.constant 0 : index
    %swap3A_34 = vector.load %arg8[%swap3A, %swap3A_33] : memref<512x128xf32, #tpu.memory_space<vmem>>, vector<512x128xf32>
    tpu.vector_store %arg8[%swap3A, %swap3A_33], %max3A_32 {strides = array<i32>} : memref<512x128xf32, #tpu.memory_space<vmem>>, vector<512x128xf32>,
    return
  }
  func.func @transform_0(%arg0: i32) -> (i32, i32) {
    %c0_i32 = arith.constant 0 : i32
    %c0_i32_0 = arith.constant 0 : i32
    return %arg0, %c0_i32 : i32, i32
  }
  func.func @transform_1(%arg0: i32) -> (i32, i32) {
    %c0_i32 = arith.constant 0 : i32
    %c0_i32_0 = arith.constant 0 : i32
    return %arg0, %c0_i32 : i32, i32
  }
  func.func @transform_2(%arg0: i32) -> (i32, i32) {
    %add3A = arith.constant 20 : i32
    %add3A_0 = arith.addi %arg0, %add3A : i32
    %c0_i32 = arith.constant 0 : i32
    %c0_i32_1 = arith.constant 0 : i32
    return %add3A_0, %c0_i32 : i32, i32
  }
  func.func @transform_3(%arg0: i32) -> (i32, i32) {
    %c0_i32 = arith.constant 0 : i32
    %c0_i32_0 = arith.constant 0 : i32
    %c0_i32_1 = arith.constant 0 : i32
    return %c0_i32, %c0_i32_0 : i32, i32
  }
  func.func @transform_4(%arg0: i32) -> (i32, i32) {
    %c0_i32 = arith.constant 0 : i32
    %c0_i32_0 = arith.constant 0 : i32
    %c0_i32_1 = arith.constant 0 : i32
    return %c0_i32, %c0_i32_0 : i32, i32
  }
  func.func @transform_5(%arg0: i32) -> (i32, i32) {
    %c0_i32 = arith.constant 0 : i32
    %c0_i32_0 = arith.constant 0 : i32
    %c0_i32_1 = arith.constant 0 : i32
    return %c0_i32, %c0_i32_0 : i32, i32
  }
  func.func @transform_6(%arg0: i32) -> (i32, i32) {
    %c0_i32 = arith.constant 0 : i32
    %c0_i32_0 = arith.constant 0 : i32
    %c0_i32_1 = arith.constant 0 : i32
    return %c0_i32, %c0_i32_0 : i32, i32
  }
  func.func @transform_7(%arg0: i32) -> (i32, i32) {
    %c0_i32 = arith.constant 0 : i32
    %c0_i32_0 = arith.constant 0 : i32
    return %arg0, %c0_i32 : i32, i32
  }
}

module attributes {stable_mosaic.version = 14 : i64} {
  func.func @body(%arg0: i32, %arg1: memref<400x128xf32, #tpu.memory_space<vmem>>, %arg2: memref<400x128xf32, #tpu.memory_space<vmem>>, %arg3: memref<400x128xf32, #tpu.memory_space<vmem>>, %arg4: memref<1x1x400xi32, #tpu.memory_space<vmem>>, %arg5: memref<384x128xf32, #tpu.memory_space<vmem>>, %arg6: memref<1x128xf32, #tpu.memory_space<vmem>>, %arg7: memref<128x256xf32, #tpu.memory_space<vmem>>, %arg8: memref<1x256xf32, #tpu.memory_space<vmem>>, %arg9: memref<1x256xf32, #tpu.memory_space<vmem>>, %arg10: memref<1x256xf32, #tpu.memory_space<vmem>>, %arg11: memref<256x2xf32, #tpu.memory_space<vmem>>, %arg12: memref<1x2xf32, #tpu.memory_space<vmem>>, %arg13: memref<64x2xf32, #tpu.memory_space<vmem>>, %arg14: memref<64x128xf32, #tpu.memory_space<vmem>>) attributes {dimension_semantics = [#tpu.dimension_semantics<arbitrary>], iteration_bounds = array<i64: 25>, scalar_prefetch = 0 : i64, scratch_operands = 1 : i64, tpu.core_type = #tpu.core_type<tc>, window_params = [{transform_indices = @transform_0, window_bounds = array<i64: 400, 128>}, {transform_indices = @transform_1, window_bounds = array<i64: 400, 128>}, {transform_indices = @transform_2, window_bounds = array<i64: 400, 128>}, {transform_indices = @transform_3, window_bounds = array<i64: 1, 1, 400>}, {pipeline_mode = #tpu.pipeline_mode<synchronous>, transform_indices = @transform_4, window_bounds = array<i64: 384, 128>}, {pipeline_mode = #tpu.pipeline_mode<synchronous>, transform_indices = @transform_5, window_bounds = array<i64: 1, 128>}, {pipeline_mode = #tpu.pipeline_mode<synchronous>, transform_indices = @transform_6, window_bounds = array<i64: 128, 256>}, {pipeline_mode = #tpu.pipeline_mode<synchronous>, transform_indices = @transform_7, window_bounds = array<i64: 1, 256>}, {pipeline_mode = #tpu.pipeline_mode<synchronous>, transform_indices = @transform_8, window_bounds = array<i64: 1, 256>}, {pipeline_mode = #tpu.pipeline_mode<synchronous>, transform_indices = @transform_9, window_bounds = array<i64: 1, 256>}, {pipeline_mode = #tpu.pipeline_mode<synchronous>, transform_indices = @transform_10, window_bounds = array<i64: 256, 2>}, {pipeline_mode = #tpu.pipeline_mode<synchronous>, transform_indices = @transform_11, window_bounds = array<i64: 1, 2>}, {pipeline_mode = #tpu.pipeline_mode<synchronous>, transform_indices = @transform_12, window_bounds = array<i64: 64, 2>}]} {
    %eq3A = arith.constant 0 : i32
    %eq3A_0 = arith.cmpi eq, %arg0, %eq3A : i32
    %convert_element_type3A = arith.extui %eq3A_0 : i1 to i32
    %cond3A = arith.constant 0 : i32
    %cond3A_1 = arith.cmpi ne, %convert_element_type3A, %cond3A : i32
    scf.if %cond3A_1 {
      %broadcast_in_dim3A_40 = arith.constant 0.000000e+00 : f32
      %broadcast_in_dim3A_41 = vector.broadcast %broadcast_in_dim3A_40 : f32 to vector<64x128xf32>
      %swap3A_42 = arith.constant 0 : index
      %swap3A_43 = arith.constant 0 : index
      %swap3A_44 = vector.load %arg14[%swap3A_42, %swap3A_43] : memref<64x128xf32, #tpu.memory_space<vmem>>, vector<64x128xf32>
      tpu.vector_store %arg14[%swap3A_42, %swap3A_43], %broadcast_in_dim3A_41 {strides = array<i32>} : memref<64x128xf32, #tpu.memory_space<vmem>>, vector<64x128xf32>,
    } else {
    }
    %get3A = arith.constant 0 : index
    %get3A_2 = arith.constant 0 : index
    %get3A_3 = vector.load %arg1[%get3A, %get3A_2] : memref<400x128xf32, #tpu.memory_space<vmem>>, vector<400x128xf32>
    %get3A_4 = arith.constant 0 : index
    %get3A_5 = arith.constant 0 : index
    %get3A_6 = vector.load %arg2[%get3A_4, %get3A_5] : memref<400x128xf32, #tpu.memory_space<vmem>>, vector<400x128xf32>
    %get3A_7 = arith.constant 0 : index
    %get3A_8 = arith.constant 0 : index
    %get3A_9 = vector.load %arg3[%get3A_7, %get3A_8] : memref<400x128xf32, #tpu.memory_space<vmem>>, vector<400x128xf32>
    %concatenate3A = tpu.concatenate %get3A_3, %get3A_6, %get3A_9 in 1 : vector<400x128xf32>, vector<400x128xf32>, vector<400x128xf32> -> vector<400x384xf32>
    %get3A_10 = arith.constant 0 : index
    %get3A_11 = arith.constant 0 : index
    %get3A_12 = vector.load %arg5[%get3A_10, %get3A_11] : memref<384x128xf32, #tpu.memory_space<vmem>>, vector<384x128xf32>
    %dot_general3A = arith.constant dense<0.000000e+00> : vector<400x128xf32>
    %dot_general3A_13 = tpu.matmul %concatenate3A, %get3A_12, %dot_general3A {dimension_numbers = #tpu.dot_dimension_numbers<[1], [0], [0], [1], [0, 0, 1, 1], [], []>, transpose_lhs_hint = false} : vector<400x384xf32>, vector<384x128xf32>, vector<400x128xf32> -> vector<400x128xf32>
    %get3A_14 = arith.constant 0 : index
    %get3A_15 = arith.constant 0 : index
    %get3A_16 = vector.load %arg6[%get3A_14, %get3A_15] : memref<1x128xf32, #tpu.memory_space<vmem>>, vector<1x128xf32>
    %add3A = vector.broadcast %get3A_16 : vector<1x128xf32> to vector<400x128xf32>
    %add3A_17 = arith.addf %dot_general3A_13, %add3A : vector<400x128xf32>
    %get3A_18 = arith.constant 0 : index
    %get3A_19 = arith.constant 0 : index
    %get3A_20 = arith.constant 0 : index
    %get3A_21 = vector.load %arg4[%get3A_18, %get3A_19, %get3A_20] : memref<1x1x400xi32, #tpu.memory_space<vmem>>, vector<1x1x400xi32>
    %get3A_22 = vector.shape_cast %get3A_21 : vector<1x1x400xi32> to vector<400xi32>
    %iota3A = tpu.iota {dimensions = array<i32: 0>} : vector<64x400xi32>
    %broadcast_in_dim3A = vector.shape_cast %get3A_22 : vector<400xi32> to vector<1x400xi32>
    %eq3A_23 = vector.broadcast %broadcast_in_dim3A : vector<1x400xi32> to vector<64x400xi32>
    %eq3A_24 = arith.cmpi eq, %iota3A, %eq3A_23 : vector<64x400xi32>
    %convert_element_type3A_25 = arith.extui %eq3A_24 : vector<64x400xi1> to vector<64x400xi32>
    %convert_element_type3A_26 = arith.sitofp %convert_element_type3A_25 : vector<64x400xi32> to vector<64x400xf32>
    %get3A_27 = arith.constant 0 : index
    %get3A_28 = arith.constant 0 : index
    %get3A_29 = vector.load %arg14[%get3A_27, %get3A_28] : memref<64x128xf32, #tpu.memory_space<vmem>>, vector<64x128xf32>
    %dot_general3A_30 = arith.constant dense<0.000000e+00> : vector<64x128xf32>
    %dot_general3A_31 = tpu.matmul %convert_element_type3A_26, %add3A_17, %dot_general3A_30 {dimension_numbers = #tpu.dot_dimension_numbers<[1], [0], [0], [1], [0, 0, 1, 1], [], []>, transpose_lhs_hint = false} : vector<64x400xf32>, vector<400x128xf32>, vector<64x128xf32> -> vector<64x128xf32>
    %add3A_32 = arith.addf %get3A_29, %dot_general3A_31 : vector<64x128xf32>
    %swap3A = arith.constant 0 : index
    %swap3A_33 = arith.constant 0 : index
    %swap3A_34 = vector.load %arg14[%swap3A, %swap3A_33] : memref<64x128xf32, #tpu.memory_space<vmem>>, vector<64x128xf32>
    tpu.vector_store %arg14[%swap3A, %swap3A_33], %add3A_32 {strides = array<i32>} : memref<64x128xf32, #tpu.memory_space<vmem>>, vector<64x128xf32>,
    %eq3A_35 = arith.constant 24 : i32
    %eq3A_36 = arith.cmpi eq, %arg0, %eq3A_35 : i32
    %convert_element_type3A_37 = arith.extui %eq3A_36 : i1 to i32
    %cond3A_38 = arith.constant 0 : i32
    %cond3A_39 = arith.cmpi ne, %convert_element_type3A_37, %cond3A_38 : i32
    scf.if %cond3A_39 {
      %get3A_40 = arith.constant 0 : index
      %get3A_41 = arith.constant 0 : index
      %get3A_42 = vector.load %arg14[%get3A_40, %get3A_41] : memref<64x128xf32, #tpu.memory_space<vmem>>, vector<64x128xf32>
      %get3A_43 = arith.constant 0 : index
      %get3A_44 = arith.constant 0 : index
      %get3A_45 = vector.load %arg7[%get3A_43, %get3A_44] : memref<128x256xf32, #tpu.memory_space<vmem>>, vector<128x256xf32>
      %dot_general3A_46 = arith.constant dense<0.000000e+00> : vector<64x256xf32>
      %dot_general3A_47 = tpu.matmul %get3A_42, %get3A_45, %dot_general3A_46 {dimension_numbers = #tpu.dot_dimension_numbers<[1], [0], [0], [1], [0, 0, 1, 1], [], []>, transpose_lhs_hint = false} : vector<64x128xf32>, vector<128x256xf32>, vector<64x256xf32> -> vector<64x256xf32>
      %get3A_48 = arith.constant 0 : index
      %get3A_49 = arith.constant 0 : index
      %get3A_50 = vector.load %arg8[%get3A_48, %get3A_49] : memref<1x256xf32, #tpu.memory_space<vmem>>, vector<1x256xf32>
      %add3A_51 = vector.broadcast %get3A_50 : vector<1x256xf32> to vector<64x256xf32>
      %add3A_52 = arith.addf %dot_general3A_47, %add3A_51 : vector<64x256xf32>
      %mul3A = arith.constant 0.999994993 : f32
      %mul3A_53 = vector.broadcast %mul3A : f32 to vector<64x256xf32>
      %mul3A_54 = arith.mulf %add3A_52, %mul3A_53 : vector<64x256xf32>
      %get3A_55 = arith.constant 0 : index
      %get3A_56 = arith.constant 0 : index
      %get3A_57 = vector.load %arg9[%get3A_55, %get3A_56] : memref<1x256xf32, #tpu.memory_space<vmem>>, vector<1x256xf32>
      %mul3A_58 = vector.broadcast %get3A_57 : vector<1x256xf32> to vector<64x256xf32>
      %mul3A_59 = arith.mulf %mul3A_54, %mul3A_58 : vector<64x256xf32>
      %get3A_60 = arith.constant 0 : index
      %get3A_61 = arith.constant 0 : index
      %get3A_62 = vector.load %arg10[%get3A_60, %get3A_61] : memref<1x256xf32, #tpu.memory_space<vmem>>, vector<1x256xf32>
      %add3A_63 = vector.broadcast %get3A_62 : vector<1x256xf32> to vector<64x256xf32>
      %add3A_64 = arith.addf %mul3A_59, %add3A_63 : vector<64x256xf32>
      %max3A = arith.constant 0.000000e+00 : f32
      %max3A_65 = vector.broadcast %max3A : f32 to vector<64x256xf32>
      %max3A_66 = arith.maximumf %add3A_64, %max3A_65 : vector<64x256xf32>
      %get3A_67 = arith.constant 0 : index
      %get3A_68 = arith.constant 0 : index
      %get3A_69 = vector.load %arg11[%get3A_67, %get3A_68] : memref<256x2xf32, #tpu.memory_space<vmem>>, vector<256x2xf32>
      %dot_general3A_70 = arith.constant dense<0.000000e+00> : vector<64x2xf32>
      %dot_general3A_71 = tpu.matmul %max3A_66, %get3A_69, %dot_general3A_70 {dimension_numbers = #tpu.dot_dimension_numbers<[1], [0], [0], [1], [0, 0, 1, 1], [], []>, transpose_lhs_hint = false} : vector<64x256xf32>, vector<256x2xf32>, vector<64x2xf32> -> vector<64x2xf32>
      %get3A_72 = arith.constant 0 : index
      %get3A_73 = arith.constant 0 : index
      %get3A_74 = vector.load %arg12[%get3A_72, %get3A_73] : memref<1x2xf32, #tpu.memory_space<vmem>>, vector<1x2xf32>
      %add3A_75 = vector.broadcast %get3A_74 : vector<1x2xf32> to vector<64x2xf32>
      %add3A_76 = arith.addf %dot_general3A_71, %add3A_75 : vector<64x2xf32>
      %swap3A_77 = arith.constant 0 : index
      %swap3A_78 = arith.constant 0 : index
      %swap3A_79 = vector.load %arg13[%swap3A_77, %swap3A_78] : memref<64x2xf32, #tpu.memory_space<vmem>>, vector<64x2xf32>
      tpu.vector_store %arg13[%swap3A_77, %swap3A_78], %add3A_76 {strides = array<i32>} : memref<64x2xf32, #tpu.memory_space<vmem>>, vector<64x2xf32>,
    } else {
    }
    return
  }
  func.func @transform_0(%arg0: i32) -> (i32, i32) {
    %c0_i32 = arith.constant 0 : i32
    %c0_i32_0 = arith.constant 0 : i32
    return %arg0, %c0_i32 : i32, i32
  }
  func.func @transform_1(%arg0: i32) -> (i32, i32) {
    %c0_i32 = arith.constant 0 : i32
    %c0_i32_0 = arith.constant 0 : i32
    return %arg0, %c0_i32 : i32, i32
  }
  func.func @transform_2(%arg0: i32) -> (i32, i32) {
    %c0_i32 = arith.constant 0 : i32
    %c0_i32_0 = arith.constant 0 : i32
    return %arg0, %c0_i32 : i32, i32
  }
  func.func @transform_3(%arg0: i32) -> (i32, i32, i32) {
    %c0_i32 = arith.constant 0 : i32
    %c0_i32_0 = arith.constant 0 : i32
    %c0_i32_1 = arith.constant 0 : i32
    return %arg0, %c0_i32, %c0_i32_0 : i32, i32, i32
  }
  func.func @transform_4(%arg0: i32) -> (i32, i32) {
    %c0_i32 = arith.constant 0 : i32
    %c0_i32_0 = arith.constant 0 : i32
    %c0_i32_1 = arith.constant 0 : i32
    return %c0_i32, %c0_i32_0 : i32, i32
  }
  func.func @transform_5(%arg0: i32) -> (i32, i32) {
    %c0_i32 = arith.constant 0 : i32
    %c0_i32_0 = arith.constant 0 : i32
    %c0_i32_1 = arith.constant 0 : i32
    return %c0_i32, %c0_i32_0 : i32, i32
  }
  func.func @transform_6(%arg0: i32) -> (i32, i32) {
    %c0_i32 = arith.constant 0 : i32
    %c0_i32_0 = arith.constant 0 : i32
    %c0_i32_1 = arith.constant 0 : i32
    return %c0_i32, %c0_i32_0 : i32, i32
  }
  func.func @transform_7(%arg0: i32) -> (i32, i32) {
    %c0_i32 = arith.constant 0 : i32
    %c0_i32_0 = arith.constant 0 : i32
    %c0_i32_1 = arith.constant 0 : i32
    return %c0_i32, %c0_i32_0 : i32, i32
  }
  func.func @transform_8(%arg0: i32) -> (i32, i32) {
    %c0_i32 = arith.constant 0 : i32
    %c0_i32_0 = arith.constant 0 : i32
    %c0_i32_1 = arith.constant 0 : i32
    return %c0_i32, %c0_i32_0 : i32, i32
  }
  func.func @transform_9(%arg0: i32) -> (i32, i32) {
    %c0_i32 = arith.constant 0 : i32
    %c0_i32_0 = arith.constant 0 : i32
    %c0_i32_1 = arith.constant 0 : i32
    return %c0_i32, %c0_i32_0 : i32, i32
  }
  func.func @transform_10(%arg0: i32) -> (i32, i32) {
    %c0_i32 = arith.constant 0 : i32
    %c0_i32_0 = arith.constant 0 : i32
    %c0_i32_1 = arith.constant 0 : i32
    return %c0_i32, %c0_i32_0 : i32, i32
  }
  func.func @transform_11(%arg0: i32) -> (i32, i32) {
    %c0_i32 = arith.constant 0 : i32
    %c0_i32_0 = arith.constant 0 : i32
    %c0_i32_1 = arith.constant 0 : i32
    return %c0_i32, %c0_i32_0 : i32, i32
  }
  func.func @transform_12(%arg0: i32) -> (i32, i32) {
    %c0_i32 = arith.constant 0 : i32
    %c0_i32_0 = arith.constant 0 : i32
    %c0_i32_1 = arith.constant 0 : i32
    return %c0_i32, %c0_i32_0 : i32, i32
  }
}

</mosaic_0001>

<sc_bundles>
// kernel: kernel.12.cloned.1.call-start
scs
__scs_entry_jumppad:
0x0: {  	(pc) =	sbr.rel $0x88, $3  }
0x1: {  	(tag) =	ssettag $0x0;
	lr =	simm.s32 $0x1  }
0x2: {  	[smem:$0x3F8A] =	sst lr;
	_ =	strace $0xD0000000  }
0x3: {  	_ = 	snop  }
0x4: {  	_ = 	snop  }
0x5: {  	_ = 	snop  }
0x6: {  	_ = 	snop  }
0x7: {  	_ = 	snop  }
__scs_overlays_trampoline_lowered:
0x8: {  	[smem:$0x3F99] =	sst s0  }
0x9: {  	[smem:$0x3F9A] =	sst s1  }
0xa: {  	[smem:$0x3F9B] =	sst s2  }
0xb: {  	[smem:$0x3F9C] =	sst s3  }
0xc: {  	[smem:$0x3F9D] =	sst s4  }
0xd: {  	[smem:$0x3F9E] =	sst s5  }
0xe: {  	[smem:$0x3F9F] =	sst s6  }
0xf: {  	[smem:$0x3FA0] =	sst s7  }
0x10: {  	[smem:$0x3FA1] =	sst s8  }
0x11: {  	[smem:$0x3FA2] =	sst s9;
	s0 =	simm.s32 @!p0 $0x0  }
0x12: {  	s1 =	sld [smem:$0x3F88];
	s0 =	simm.s32 @p0 $0x1  }
0x13: {  	[smem:$0x3FA3] =	sst s0;
	s0 =	simm.s32 @!p1 $0x0  }
0x14: {  	s2 =	sld [smem:$0x3F87];
	s0 =	simm.s32 @p1 $0x1  }
0x15: {  	[smem:$0x3FA4] =	sst s0;
	s0 =	simm.s32 @!p2 $0x0  }
0x16: {  	s3 =	sld [smem:$0x3FDB];
	s0 =	simm.s32 @p2 $0x1  }
0x17: {  	s4 =	simm.s32 $0x1BF5;
	[smem:$0x3FA6] =	sst s0  }
0x18: {  	s0 =	sld [smem:$0x3F89];
	_ =	swait.ge [sflag:s4], $0x0  }
0x19: {  	s7 =	sld [smem:$0x3F8A]  }
0x1a: {  	s8 =	sadd.s32 $0xFFFFE003, lr  }
0x1b: {  	s9 =	sadd.s32 $0xFFFFFEF7, lr;
	s5 =	simm.s32 $0xFFFFFFFF;
	p2 =	slt.u32 s8, $0xFFFFF086  }
0x1c: {  	p1 =	slt.u32 s9, $0xF7A;
	s5 =	simm.s32 @!p2 $0x0  }
0x1d: {  	s5 =	simm.s32 @p1 $0x1;
	p0 =	seq.s32 s7, s2  }
0x1e: {  	s7 =	smul.u32 @!p0 $0xF7A, s2;
	p2 =	seq.s32 @!p0 s5, $0x0  }
0x1f: {  	s9 =	smul.u32 $0xF7A, s1;
	s8 =	simm.s32 @!p0 $0x1BF5;
	p2 =	por !p2, p0  }
0x20: {  	[sflag:s8] =	ssyncset.s32 @!p0 $0xFFFFF086;
	s6 =	sadd.s32 @!p0 s3, s7;
	s7 =	simm.s32 @!p0 $0x108  }
0x21: {  	s3 =	sadd.s32 s3, s9;
	s6 =	sadd.s32 @!p0 $0x88, s6;
	s7 =	simm.s32 @p2 $0x1082  }
0x22: {  	[simem:s7], [sflag:s8] =	dma.local @!p0 [hbm:s6], $0xF7A  }
0x23: {  	s9 =	sor.u32 $0xD0000000, s2;
	s6 =	simm.s32 $0x108;
	_ =	swait.ge @!p0 [sflag:s8], $0x0  }
0x24: {  	s3 =	sadd.s32 $0x88, s3;
	s6 =	simm.s32 @!p1 $0x1082;
	[sflag:s4] =	ssyncset.s32 $0xFFFFF086  }
0x25: {  	[simem:s6], [sflag:s4] =	dma.local [hbm:s3], $0xF7A  }
0x26: {  	[smem:$0x3F8A] =	sst s1;
	(tag) =	ssettag s2;
	_ =	strace s9  }
0x27: {  	s1 =	sld [smem:$0x3F9A]  }
0x28: {  	s2 =	sld [smem:$0x3F9B]  }
0x29: {  	s4 =	sld [smem:$0x3F9D]  }
0x2a: {  	p0 =	seq.s32 s5, $0x0;
	s5 =	sld [smem:$0x3F9E]  }
0x2b: {  	s6 =	sld [smem:$0x3F9F]  }
0x2c: {  	s7 =	sld [smem:$0x3FA0]  }
0x2d: {  	s3 =	simm.s32 $0x108;
	s8 =	sld [smem:$0x3FA1]  }
0x2e: {  	s3 =	simm.s32 @!p0 $0x1082;
	s9 =	sld [smem:$0x3FA2]  }
0x2f: {  	lr =	sadd.s32 s0, s3;
	s0 =	sld [smem:$0x3F99]  }
0x30: {  	s3 =	sld [smem:$0x3F9C]  }
0x31: {  	[smem:$0x3FA5] =	sst s10  }
0x32: {  	s10 =	sld [smem:$0x3FA3];
	_ =	sdelay $0x3  }
0x33: {  	p0 =	seq.s32 s10, $0x1;
	s10 =	sld [smem:$0x3FA5];
	_ =	sdelay $0x3  }
0x34: {  	[smem:$0x3FA5] =	sst s10  }
0x35: {  	s10 =	sld [smem:$0x3FA4];
	_ =	sdelay $0x3  }
0x36: {  	p1 =	seq.s32 s10, $0x1;
	s10 =	sld [smem:$0x3FA5];
	_ =	sdelay $0x3  }
0x37: {  	[smem:$0x3FA5] =	sst s10  }
0x38: {  	s10 =	sld [smem:$0x3FA6]  }
0x39: {  	_ = 	snop;
	(pc) =	sbr.ind lr, $3  }
0x3a: {  	_ = 	snop  }
0x3b: {  	_ = 	snop  }
0x3c: {  	p2 =	seq.s32 s10, $0x1;
	s10 =	sld [smem:$0x3FA5]  }
0x3d: {  	_ =	shalt  }
0x3e: {  	_ =	shalt  }
0x3f: {  	_ =	shalt  }
0x40: {  	_ =	shalt  }
0x41: {  	_ =	shalt  }
0x42: {  	_ =	shalt  }
0x43: {  	_ =	shalt  }
0x44: {  	_ =	shalt  }
0x45: {  	_ =	shalt  }
0x46: {  	_ =	shalt  }
0x47: {  	_ =	shalt  }
0x48: {  	_ =	shalt  }
0x49: {  	_ =	shalt  }
0x4a: {  	_ =	shalt  }
0x4b: {  	_ =	shalt  }
0x4c: {  	_ =	shalt  }
0x4d: {  	_ =	shalt  }
0x4e: {  	_ =	shalt  }
0x4f: {  	_ =	shalt  }
0x50: {  	_ =	shalt  }
0x51: {  	_ =	shalt  }
0x52: {  	_ =	shalt  }
0x53: {  	_ =	shalt  }
0x54: {  	_ =	shalt  }
0x55: {  	_ =	shalt  }
0x56: {  	_ =	shalt  }
0x57: {  	_ =	shalt  }
0x58: {  	_ =	shalt  }
0x59: {  	_ =	shalt  }
0x5a: {  	_ =	shalt  }
0x5b: {  	_ =	shalt  }
0x5c: {  	_ =	shalt  }
0x5d: {  	_ =	shalt  }
0x5e: {  	_ =	shalt  }
0x5f: {  	_ =	shalt  }
0x60: {  	_ =	shalt  }
0x61: {  	_ =	shalt  }
0x62: {  	_ =	shalt  }
0x63: {  	_ =	shalt  }
0x64: {  	_ =	shalt  }
0x65: {  	_ =	shalt  }
0x66: {  	_ =	shalt  }
0x67: {  	_ =	shalt  }
0x68: {  	_ =	shalt  }
0x69: {  	_ =	shalt  }
0x6a: {  	_ =	shalt  }
0x6b: {  	_ =	shalt  }
0x6c: {  	_ =	shalt  }
0x6d: {  	_ =	shalt  }
0x6e: {  	_ =	shalt  }
0x6f: {  	_ =	shalt  }
0x70: {  	_ =	shalt  }
0x71: {  	_ =	shalt  }
0x72: {  	_ =	shalt  }
0x73: {  	_ =	shalt  }
0x74: {  	_ =	shalt  }
0x75: {  	_ =	shalt  }
0x76: {  	_ =	shalt  }
0x77: {  	_ =	shalt  }
0x78: {  	_ =	shalt  }
0x79: {  	_ =	shalt  }
0x7a: {  	_ =	shalt  }
0x7b: {  	_ =	shalt  }
0x7c: {  	_ =	shalt  }
0x7d: {  	_ =	shalt  }
0x7e: {  	_ =	shalt  }
0x7f: {  	_ =	shalt  }
0x80: {  	_ =	shalt  }
0x81: {  	_ =	shalt  }
0x82: {  	_ =	shalt  }
0x83: {  	_ =	shalt  }
0x84: {  	_ =	shalt  }
0x85: {  	_ =	shalt  }
0x86: {  	_ =	shalt  }
0x87: {  	_ =	shalt  }
.Lfunc_end0:
.L_simem_size_0:
called_computation.1_lowered:
.L_overlay_start_0:
0x88: {  	s2 =	sld [smem:$0x3FD9]  }
0x89: {  	s3 =	sld [smem:$0x3FFE];
	_ =	sdelay $0x1  }
0x8a: {  	s1 =	srdreg.scid  }
0x8b: {  	s0 =	sand.u32 $0x1, s1  }
0x8c: {  	s16 =	sshll.u32 s0, $0xA;
	s2 =	sadd.s32 s3, s2  }
0x8d: {  	s2 =	sadd.s32 s2, s16  }
0x8e: {  	[smem:$0x3FB1] =	sst s2  }
0x8f: {  	_ = 	snop  }
0x90: {  	(tm) =	ssettm $0x1  }
0x91: {  	s17 =	sld [smem:$0x3FFB];
	_ =	sdelay $0x3  }
0x92: {  	_ =	strace s17  }
0x93: {  	s2 =	sld [smem:$0x3FFC];
	_ =	sdelay $0x3  }
0x94: {  	_ =	strace s2  }
0x95: {  	s2 =	sld [smem:$0x3FFD];
	_ =	sdelay $0x3  }
0x96: {  	_ =	strace s2  }
0x97: {  	_ =	strace $0x8FFFFFFF  }
0x98: {  	s18 =	sld [smem:$0x3FDB];
	_ =	sdelay $0x1  }
0x99: {  	s19 =	simm.s32 $_scs_section_size  }
0x9a: {  	s4 =	simm.s32 $_size__tile_overlayer_lowered;
	s5 =	simm.s32 $_tile_overlayer_lowered  }
0x9b: {  	s22 =	simm.s32 $0x1BFF;
	s21 =	sshll.u32 s5, $0x1;
	s2 =	sadd.s32 s19, s18  }
0x9c: {  	s6 =	simm.s32 $0x0;
	s20 =	sshll.u32 s4, $0x1;
	s4 =	sadd.s32 s21, s2  }
0x9d: {  	[timem:s6], [sflag:s22] =	dma.local [hbm:s4], s20  }
0x9e: {  	_ =	swait.ge [sflag:s22], s20  }
0x9f: {  	s3 =	ssub.s32 $0x0, s20;
	[sflag:s22] =	ssyncset.done $0x0  }
0xa0: {  	[sflag:s22] =	ssyncadd.s32 s3;
	_ =	sdelay $0x1  }
0xa1: {  	s23 =	simm.s32 $0x1B8B  }
0xa2: {  	_ =	swait.ge [sflag:s23], $0x1  }
0xa3: {  	[sflag:s23] =	ssyncset.done $0x0  }
0xa4: {  	s25 =	simm.s32 $0x1B8E;
	s24 =	sld [smem:$0x3FFE];
	[sflag:s23] =	ssyncadd.s32 $0xFFFFFFFF  }
0xa5: {  	s26 =	simm.s32 $execute0_lowered;
	[smem:$0x3FD2] =	sst s25  }
0xa6: {  	s4 =	sshll.u32 s26, $0x1;
	_ =	strace $0x80000049;
	[dreg:$0x1] =	wrdreg $0xFFFFFFFF  }
0xa7: {  	s28 =	simm.s32 $_size_execute0_lowered;
	s2 =	sadd.s32 s2, s4;
	[dreg:$0x0] =	wrdreg $0x0  }
0xa8: {  	s4 =	sshll.u32 s28, $0x1;
	[dreg:$0x2] =	wrdreg s2  }
0xa9: {  	[dreg:$0x3] =	wrdreg s4  }
0xaa: {  	[dreg:$0x4] =	wrdreg $0xC0  }
0xab: {  	_ =	task [dreg:s6], $0x5FFFF  }
0xac: {  	[dreg:$0x1] =	wrdreg $0xFFFFFFFF  }
0xad: {  	[dreg:$0x0] =	wrdreg $0x60  }
0xae: {  	[dreg:$0x2] =	wrdreg s24  }
0xaf: {  	[dreg:$0x3] =	wrdreg $0x52000  }
0xb0: {  	[dreg:$0x4] =	wrdreg $0x9  }
0xb1: {  	_ =	task.clear_ibuf [dreg:s6], $0x5FFFF;
	_ =	strace $0x90000049  }
0xb2: {  	s29 =	simm.s32 $0x9;
	_ =	strace $0x8000004B  }
0xb3: {  	_ =	swait.ge [sflag:s29], $0x1  }
0xb4: {  	[sflag:s29] =	ssyncadd.s32 $0xFFFFFFFF  }
0xb5: {  	_ =	strace $0x9000004B  }
0xb6: {  	_ =	sfence  }
0xb7: {  	s30 =	sld [smem:$0x0];
	_ =	sdelay $0x2  }
0xb8: {  	s31 =	sshll.u32 s1, $0xD;
	s1 =	sshrl.u32 s1, $0x2  }
0xb9: {  	s3 =	sand.u32 $0x4000, s31;
	s1 =	sadd.s32 s1, s30  }
0xba: {  	s0 =	sor.u32 s3, s0;
	s1 =	sshll.u32 s1, $0x11  }
0xbb: {  	s0 =	sor.u32 s1, s0  }
0xbc: {  	s0 =	sadd.s32 $0x8F2B, s0  }
0xbd: {  	[sflag:s0] =	ssyncadd.remote.s32 $0x1  }
0xbe: {  	_ =	sfence.sel $0xFFFF  }
0xbf: {  	[dreg:$0x0] =	wrdreg $0xFFFFFFFF;
	(pc) =	sbr.abs _section_cstart, $3  }
0xc0: {  	[dreg:$0x1] =	wrdreg $0xFFFFFFFF  }
0xc1: {  	_ =	task.clear_ibuf [dreg:s6], $0x2FFFF;
	_ =	strace $0x9FFFFFFF  }
0xc2: {  	(tm) =	ssettm $0x7FFFFFFF  }
0xc3: {  	_ =	shalt  }
tec
execute0_lowered:
.L_overlay_start_1:
0x0: {  	(tag) =	ssettag $0x1  }
0x1: {  	s0 =	rddreg [dreg:$0x0]  }
0x2: {  	s1 =	rddreg [dreg:$0x1]  }
0x3: {  	s3 =	simm.s32 $0x0;
	s13 =	stileid.u32;
	s2 =	srdreg.scid  }
0x4: {  	s28 =	simm.s32 $0x80;
	s29 =	simm.s32 $0x180;
	s30 =	simm.s32 $0x6  }
0x5: {  	s31 =	simm.s32 $0x2A00;
	[smem:$0x7FF] =	sst s3;
	s5 =	smul.u32 $0x2800, s13  }
0x6: {  	s4 =	sadd.s32 $0x2CA00, s0;
	s2 =	sand.u32 $0x1, s2;
	s10 =	smul.u32 $0x50000, s13  }
0x7: {  	s6 =	sadd.s32 $0x19000, s0;
	s8 =	sadd.s32 $0x5600, s0;
	s22 =	smul.u32 $0x4E20, s13  }
0x8: {  	_ =	strace $0x8000004A;
	s7 =	smul.u32 $0x28000, s2;
	s11 =	sshll.u32 s2, $0x4  }
0x9: {  	s24 =	ssub.s32 $0x2, s2;
	s19 =	smul.u32 $0x4E200, s2;
	s2 =	simm.s32 $0x3  }
0xa: {  	s9 =	sadd.s32 s5, s0;
	s11 =	sor.u32 s13, s11;
	s12 =	sshrl.u32 s24, $0x1  }
0xb: {  	s10 =	sshrl.u32 s10, $0x2;
	s5 =	sadd.s32 s5, s7;
	s11 =	smul.u32 $0x4E20, s11  }
0xc: {  	s25 =	ssub.s32 s24, s12;
	s26 =	sadd.s32 s10, s1;
	s9 =	sadd.s32 $0x54A00, s9  }
0xd: {  	s10 =	sshll.u32 s13, $0x6;
	s0 =	sadd.s32 s5, s0;
	[dreg:$0x3] =	wrdreg s26  }
0xe: {  	[dreg:$0x4] =	wrdreg s9;
	s7 =	sor.u32 $0x1C07, s10;
	s18 =	smax.u32 s25, $0x1  }
0xf: {  	s5 =	simm.s32 $0x2;
	s12 =	sshrl.u32 s11, $0x3;
	s0 =	sadd.s32 $0x7CA00, s0  }
0x10: {  	[dreg:$0x8] =	wrdreg s18;
	s16 =	sadd.s32 s6, s12;
	s17 =	sadd.s32 s8, s12  }
0x11: {  	[dreg:$0x7] =	wrdreg s0;
	s20 =	sadd.s32 $0xA, s12;
	s21 =	sadd.s32 $0x14, s12  }
0x12: {  	s24 =	sadd.s32 $0x9BA, s12;
	s0 =	sadd.s32 s22, s19;
	[dreg:$0x5] =	wrdreg s16  }
0x13: {  	s22 =	simm.s32 $0x7;
	[dreg:$0x6] =	wrdreg s17;
	s23 =	sadd.s32 s6, s20  }
0x14: {  	s13 =	sadd.s32 s8, s20;
	s14 =	sadd.s32 s6, s21;
	s15 =	sadd.s32 s8, s21  }
0x15: {  	s16 =	sadd.s32 s6, s24;
	s25 =	sadd.s32 $0x140, s0;
	s0 =	sadd.s32 $0xF0, s0  }
0x16: {  	s17 =	sadd.s32 s8, s24;
	s24 =	simm.s32 $0x5;
	[dreg:$0x9] =	wrdreg s23  }
0x17: {  	s26 =	sshrl.u32 s25, $0x3;
	s0 =	sshrl.u32 s0, $0x3;
	s23 =	simm.s32 $0x100  }
0x18: {  	s25 =	simm.s32 $0x50;
	s18 =	sadd.s32 s26, s8;
	s19 =	sadd.s32 s26, s6  }
0x19: {  	s20 =	sadd.s32 s0, s8;
	s21 =	sadd.s32 s0, s6;
	s26 =	simm.s32 $0x200  }
0x1a: {  	s0 =	simm.s32 $0x1;
	s6 =	simm.s32 $0x4;
	s8 =	simm.s32 $0x0  }
.LBB2_1:
0x1b: {  	s9 =	rddreg [dreg:$0x3]  }
0x1c: {  	s10 =	rddreg [dreg:$0x4];
	s9 =	sshrl.u32 s9, $0x3  }
0x1d: {  	[spmem:s9], [sflag:s7] =	dma.local [hbm:s10], $0x2800  }
0x1e: {  	_ =	swait.ge [sflag:s22], $0x2800  }
0x1f: {  	[sflag:s22] =	ssyncset.done $0x0  }
0x20: {  	[sflag:s22] =	ssyncadd.s32 $0xFFFFD800  }
0x21: {  	[bflag:$0x0] =	sbarrier.arrive $0xFFFF  }
0x22: {  	s12 =	rddreg [dreg:$0x5]  }
0x23: {  	[tilespmem:s3], [sflag:$0x5] =	stream.linear.gather [hbm4b:s12+s3], $0x50, $0x38;
	[tilespmem:$0x19200] =	vst v63  }
0x24: {  	s11 =	rddreg [dreg:$0x6]  }
0x25: {  	[tilespmem:s23], [sflag:$0x5] =	stream.linear.gather [hbm4b:s11+s3], $0x50, $0x38;
	[tilespmem:$0x19200] =	vst v63  }
0x26: {  	_ =	swait.ge [sflag:s24], $0x50  }
0x27: {  	[sflag:s24] =	ssyncset.done $0x0  }
0x28: {  	[sflag:s24] =	ssyncadd.s32 $0xFFFFFFB0  }
0x29: {  	_ =	swait.ge [sflag:s24], $0x50  }
0x2a: {  	[sflag:s24] =	ssyncset.done $0x0  }
0x2b: {  	[sflag:s24] =	ssyncadd.s32 $0xFFFFFFB0  }
0x2c: {  	[tilespmem:s26], [sflag:$0x1] =	stream.indirect.gather [hbm4b:s4+s25], $0x80, s3, s25, $0xb8;
	[tilespmem:$0x19200] =	vst v63  }
0x2d: {  	s12 =	rddreg [dreg:$0x9]  }
0x2e: {  	[tilespmem:s28], [sflag:$0x6] =	stream.linear.gather [hbm4b:s12+s3], $0x50, $0x38;
	[tilespmem:$0x19200] =	vst v63  }
0x2f: {  	_ = 	snop  }
0x30: {  	[tilespmem:s29], [sflag:$0x6] =	stream.linear.gather [hbm4b:s13+s3], $0x50, $0x38;
	[tilespmem:$0x19200] =	vst v63  }
0x31: {  	_ =	swait.ge [sflag:s30], $0x50  }
0x32: {  	[sflag:s30] =	ssyncset.done $0x0  }
0x33: {  	[sflag:s30] =	ssyncadd.s32 $0xFFFFFFB0  }
0x34: {  	_ =	swait.ge [sflag:s30], $0x50  }
0x35: {  	[sflag:s30] =	ssyncset.done $0x0  }
0x36: {  	[sflag:s30] =	ssyncadd.s32 $0xFFFFFFB0  }
0x37: {  	[tilespmem:s31], [sflag:$0x2] =	stream.indirect.gather [hbm4b:s4+s25], $0x80, s28, s25, $0xb8;
	[tilespmem:$0x19200] =	vst v63  }
0x38: {  	_ =	swait.ge [sflag:s0], $0x2800  }
0x39: {  	[sflag:s0] =	ssyncset.done $0x0  }
0x3a: {  	[sflag:s0] =	ssyncadd.s32 $0xFFFFD800  }
0x3b: {  	[spmem:s1] =	stream.indirect.scatter.add.f32 [tilespmem:s26], [sflag:$0x3], $0x80, s23, s25, $0xb8;
	[tilespmem:$0x19200] =	vst v63  }
0x3c: {  	_ = 	snop  }
0x3d: {  	[tilespmem:s3], [sflag:$0x5] =	stream.linear.gather [hbm4b:s14+s3], $0x50, $0x38;
	[tilespmem:$0x19200] =	vst v63  }
0x3e: {  	_ =	swait.ge [sflag:s2], $0x2800  }
0x3f: {  	[sflag:s2] =	ssyncset.done $0x0  }
0x40: {  	[sflag:s2] =	ssyncadd.s32 $0xFFFFD800  }
0x41: {  	[tilespmem:s23], [sflag:$0x5] =	stream.linear.gather [hbm4b:s15+s3], $0x50, $0x38;
	[tilespmem:$0x19200] =	vst v63  }
0x42: {  	_ =	swait.ge [sflag:s24], $0x50  }
0x43: {  	[sflag:s24] =	ssyncset.done $0x0  }
0x44: {  	[sflag:s24] =	ssyncadd.s32 $0xFFFFFFB0  }
0x45: {  	_ =	swait.ge [sflag:s24], $0x50  }
0x46: {  	[sflag:s24] =	ssyncset.done $0x0  }
0x47: {  	[sflag:s24] =	ssyncadd.s32 $0xFFFFFFB0  }
0x48: {  	[tilespmem:s26], [sflag:$0x1] =	stream.indirect.gather [hbm4b:s4+s25], $0x80, s3, s25, $0xb8;
	[tilespmem:$0x19200] =	vst v63  }
0x49: {  	_ =	swait.ge [sflag:s5], $0x2800  }
0x4a: {  	[sflag:s5] =	ssyncset.done $0x0  }
0x4b: {  	[sflag:s5] =	ssyncadd.s32 $0xFFFFD800  }
0x4c: {  	[spmem:s1] =	stream.indirect.scatter.add.f32 [tilespmem:s31], [sflag:$0x4], $0x80, s29, s25, $0xb8;
	[tilespmem:$0x19200] =	vst v63  }
0x4d: {  	s11 =	sadd.s32 $0x0, s21  }
0x4e: {  	[tilespmem:s28], [sflag:$0x6] =	stream.linear.gather [hbm4b:s11+s3], $0x50, $0x38;
	[tilespmem:$0x19200] =	vst v63  }
0x4f: {  	_ =	swait.ge [sflag:s6], $0x2800  }
0x50: {  	[sflag:s6] =	ssyncset.done $0x0  }
0x51: {  	s12 =	sadd.s32 $0x0, s20;
	[sflag:s6] =	ssyncadd.s32 $0xFFFFD800  }
0x52: {  	[tilespmem:s29], [sflag:$0x6] =	stream.linear.gather [hbm4b:s12+s3], $0x50, $0x38;
	[tilespmem:$0x19200] =	vst v63  }
0x53: {  	_ =	swait.ge [sflag:s30], $0x50  }
0x54: {  	[sflag:s30] =	ssyncset.done $0x0  }
0x55: {  	[sflag:s30] =	ssyncadd.s32 $0xFFFFFFB0  }
0x56: {  	_ =	swait.ge [sflag:s30], $0x50  }
0x57: {  	[sflag:s30] =	ssyncset.done $0x0  }
0x58: {  	[sflag:s30] =	ssyncadd.s32 $0xFFFFFFB0  }
0x59: {  	[tilespmem:s31], [sflag:$0x2] =	stream.indirect.gather [hbm4b:s4+s25], $0x80, s28, s25, $0xb8;
	[tilespmem:$0x19200] =	vst v63  }
0x5a: {  	_ =	swait.ge [sflag:s0], $0x2800  }
0x5b: {  	[sflag:s0] =	ssyncset.done $0x0  }
0x5c: {  	[sflag:s0] =	ssyncadd.s32 $0xFFFFD800  }
0x5d: {  	[spmem:s1] =	stream.indirect.scatter.add.f32 [tilespmem:s26], [sflag:$0x3], $0x80, s23, s25, $0xb8;
	[tilespmem:$0x19200] =	vst v63  }
0x5e: {  	s11 =	sadd.s32 $0x0, s19  }
0x5f: {  	[tilespmem:s3], [sflag:$0x5] =	stream.linear.gather [hbm4b:s11+s3], $0x50, $0x38;
	[tilespmem:$0x19200] =	vst v63  }
0x60: {  	_ =	swait.ge [sflag:s2], $0x2800  }
0x61: {  	[sflag:s2] =	ssyncset.done $0x0  }
0x62: {  	s12 =	sadd.s32 $0x0, s18;
	[sflag:s2] =	ssyncadd.s32 $0xFFFFD800  }
0x63: {  	[tilespmem:s23], [sflag:$0x5] =	stream.linear.gather [hbm4b:s12+s3], $0x50, $0x38;
	[tilespmem:$0x19200] =	vst v63  }
0x64: {  	_ =	swait.ge [sflag:s24], $0x50  }
0x65: {  	[sflag:s24] =	ssyncset.done $0x0  }
0x66: {  	[sflag:s24] =	ssyncadd.s32 $0xFFFFFFB0  }
0x67: {  	_ =	swait.ge [sflag:s24], $0x50  }
0x68: {  	[sflag:s24] =	ssyncset.done $0x0  }
0x69: {  	[sflag:s24] =	ssyncadd.s32 $0xFFFFFFB0  }
0x6a: {  	[tilespmem:s26], [sflag:$0x1] =	stream.indirect.gather [hbm4b:s4+s25], $0x80, s3, s25, $0xb8;
	[tilespmem:$0x19200] =	vst v63  }
0x6b: {  	_ =	swait.ge [sflag:s5], $0x2800  }
0x6c: {  	[sflag:s5] =	ssyncset.done $0x0  }
0x6d: {  	s10 =	simm.s32 $0x14;
	[sflag:s5] =	ssyncadd.s32 $0xFFFFD800  }
.LBB2_2:
0x6e: {  	[spmem:s1] =	stream.indirect.scatter.add.f32 [tilespmem:s31], [sflag:$0x4], $0x80, s29, s25, $0xb8;
	[tilespmem:$0x19200] =	vst v63  }
0x6f: {  	s11 =	smov.u32 s10  }
0x70: {  	p0 =	sne.s32 s10, $0x988;
	s10 =	sadd.s32 $0x14, s10;
	s12 =	sadd.s32 s11, s21  }
0x71: {  	[tilespmem:s28], [sflag:$0x6] =	stream.linear.gather [hbm4b:s12+s3], $0x50, $0x38;
	[tilespmem:$0x19200] =	vst v63  }
0x72: {  	_ =	swait.ge [sflag:s6], $0x2800  }
0x73: {  	[sflag:s6] =	ssyncset.done $0x0  }
0x74: {  	s12 =	sadd.s32 s11, s20;
	[sflag:s6] =	ssyncadd.s32 $0xFFFFD800  }
0x75: {  	[tilespmem:s29], [sflag:$0x6] =	stream.linear.gather [hbm4b:s12+s3], $0x50, $0x38;
	[tilespmem:$0x19200] =	vst v63  }
0x76: {  	_ =	swait.ge [sflag:s30], $0x50  }
0x77: {  	[sflag:s30] =	ssyncset.done $0x0  }
0x78: {  	[sflag:s30] =	ssyncadd.s32 $0xFFFFFFB0  }
0x79: {  	_ =	swait.ge [sflag:s30], $0x50  }
0x7a: {  	[sflag:s30] =	ssyncset.done $0x0  }
0x7b: {  	[sflag:s30] =	ssyncadd.s32 $0xFFFFFFB0  }
0x7c: {  	[tilespmem:s31], [sflag:$0x2] =	stream.indirect.gather [hbm4b:s4+s25], $0x80, s28, s25, $0xb8;
	[tilespmem:$0x19200] =	vst v63  }
0x7d: {  	_ =	swait.ge [sflag:s0], $0x2800  }
0x7e: {  	[sflag:s0] =	ssyncset.done $0x0  }
0x7f: {  	[sflag:s0] =	ssyncadd.s32 $0xFFFFD800  }
0x80: {  	[spmem:s1] =	stream.indirect.scatter.add.f32 [tilespmem:s26], [sflag:$0x3], $0x80, s23, s25, $0xb8;
	[tilespmem:$0x19200] =	vst v63  }
0x81: {  	s12 =	sadd.s32 s11, s19  }
0x82: {  	[tilespmem:s3], [sflag:$0x5] =	stream.linear.gather [hbm4b:s12+s3], $0x50, $0x38;
	[tilespmem:$0x19200] =	vst v63  }
0x83: {  	_ =	swait.ge [sflag:s2], $0x2800  }
0x84: {  	[sflag:s2] =	ssyncset.done $0x0  }
0x85: {  	s11 =	sadd.s32 s11, s18;
	[sflag:s2] =	ssyncadd.s32 $0xFFFFD800  }
0x86: {  	[tilespmem:s23], [sflag:$0x5] =	stream.linear.gather [hbm4b:s11+s3], $0x50, $0x38;
	[tilespmem:$0x19200] =	vst v63  }
0x87: {  	_ =	swait.ge [sflag:s24], $0x50  }
0x88: {  	[sflag:s24] =	ssyncset.done $0x0  }
0x89: {  	[sflag:s24] =	ssyncadd.s32 $0xFFFFFFB0  }
0x8a: {  	_ =	swait.ge [sflag:s24], $0x50  }
0x8b: {  	[sflag:s24] =	ssyncset.done $0x0  }
.Ltmp0:
0x8c: {  	[sflag:s24] =	ssyncadd.s32 $0xFFFFFFB0;
	(pc) =	sbr.rel @p0 .LBB2_2-.Ltmp0, $4  }
0x8d: {  	[tilespmem:s26], [sflag:$0x1] =	stream.indirect.gather [hbm4b:s4+s25], $0x80, s3, s25, $0xb8;
	[tilespmem:$0x19200] =	vst v63  }
0x8e: {  	_ =	swait.ge [sflag:s5], $0x2800  }
0x8f: {  	[sflag:s5] =	ssyncset.done $0x0  }
0x90: {  	[sflag:s5] =	ssyncadd.s32 $0xFFFFD800  }
0x91: {  	[spmem:s1] =	stream.indirect.scatter.add.f32 [tilespmem:s31], [sflag:$0x4], $0x80, s29, s25, $0xb8;
	[tilespmem:$0x19200] =	vst v63  }
0x92: {  	_ = 	snop  }
0x93: {  	[tilespmem:s28], [sflag:$0x6] =	stream.linear.gather [hbm4b:s16+s3], $0x50, $0x38;
	[tilespmem:$0x19200] =	vst v63  }
0x94: {  	_ =	swait.ge [sflag:s6], $0x2800  }
0x95: {  	[sflag:s6] =	ssyncset.done $0x0  }
0x96: {  	[sflag:s6] =	ssyncadd.s32 $0xFFFFD800  }
0x97: {  	[tilespmem:s29], [sflag:$0x6] =	stream.linear.gather [hbm4b:s17+s3], $0x50, $0x38;
	[tilespmem:$0x19200] =	vst v63  }
0x98: {  	_ =	swait.ge [sflag:s30], $0x50  }
0x99: {  	[sflag:s30] =	ssyncset.done $0x0  }
0x9a: {  	[sflag:s30] =	ssyncadd.s32 $0xFFFFFFB0  }
0x9b: {  	_ =	swait.ge [sflag:s30], $0x50  }
0x9c: {  	[sflag:s30] =	ssyncset.done $0x0  }
0x9d: {  	[sflag:s30] =	ssyncadd.s32 $0xFFFFFFB0  }
0x9e: {  	[tilespmem:s31], [sflag:$0x2] =	stream.indirect.gather [hbm4b:s4+s25], $0x80, s28, s25, $0xb8;
	[tilespmem:$0x19200] =	vst v63  }
0x9f: {  	_ =	swait.ge [sflag:s0], $0x2800  }
0xa0: {  	[sflag:s0] =	ssyncset.done $0x0  }
0xa1: {  	[sflag:s0] =	ssyncadd.s32 $0xFFFFD800  }
0xa2: {  	[spmem:s1] =	stream.indirect.scatter.add.f32 [tilespmem:s26], [sflag:$0x3], $0x80, s23, s25, $0xb8;
	[tilespmem:$0x19200] =	vst v63  }
0xa3: {  	_ =	swait.ge [sflag:s5], $0x2800  }
0xa4: {  	[sflag:s5] =	ssyncset.done $0x0  }
0xa5: {  	[sflag:s5] =	ssyncadd.s32 $0xFFFFD800  }
0xa6: {  	[spmem:s1] =	stream.indirect.scatter.add.f32 [tilespmem:s31], [sflag:$0x4], $0x80, s29, s25, $0xb8;
	[tilespmem:$0x19200] =	vst v63  }
0xa7: {  	_ =	swait.ge [sflag:s2], $0x2800  }
0xa8: {  	[sflag:s2] =	ssyncset.done $0x0  }
0xa9: {  	[sflag:s2] =	ssyncadd.s32 $0xFFFFD800  }
0xaa: {  	_ =	swait.ge [sflag:s6], $0x2800  }
0xab: {  	[sflag:s6] =	ssyncset.done $0x0  }
0xac: {  	[sflag:s6] =	ssyncadd.s32 $0xFFFFD800  }
0xad: {  	[bflag:$0x0] =	sbarrier.arrive $0xFFFF  }
0xae: {  	s10 =	rddreg [dreg:$0x7]  }
0xaf: {  	[hbm:s10], [sflag:s7] =	dma.local [spmem:s9], $0x2800  }
0xb0: {  	_ =	swait.ge [sflag:s22], $0x2800  }
0xb1: {  	s8 =	sadd.s32 $0x1, s8;
	s12 =	rddreg [dreg:$0x8]  }
0xb2: {  	p0 =	sne.s32 s8, s12  }
.Ltmp1:
0xb3: {  	_ = 	snop;
	(pc) =	sbr.rel @p0 .LBB2_1-.Ltmp1, $3  }
0xb4: {  	_ =	sdelay $0x1  }
0xb5: {  	[sflag:s22] =	ssyncset.done $0x0  }
0xb6: {  	[sflag:s22] =	ssyncadd.s32 $0xFFFFD800  }
0xb7: {  	_ =	sfence.sel $0x180000  }
0xb8: {  	[bflag:$0x0] =	sbarrier.arrive $0xFFFF  }
0xb9: {  	_ =	strace $0x9000004A  }
0xba: {  	s0 =	stileid.u32;
	[bflag:$0x2] =	sbarrier.arrive $0xFFFF  }
0xbb: {  	p0 =	sne.s32 s0, $0x0;
	s0 =	rddreg [dreg:$0x2]  }
0xbc: {  	s0 =	sadd.s32 @!p0 $0x100000, s0  }
0xbd: {  	[sflag:s0] =	ssyncadd.tile.s32 @!p0 $0x1;
	_ =	shalt  }
.Lfunc_end2:
_tile_overlayer_lowered:
.L_overlay_start_2:
0xbe: {  	(tag) =	ssettag $0x2  }
0xbf: {  	s0 =	rddreg [dreg:$0x0];
	s2 =	stileid.u32  }
0xc0: {  	s1 =	rddreg [dreg:$0x1];
	p0 =	sne.s32 s2, $0x0  }
0xc1: {  	s3 =	rddreg [dreg:$0x2];
	[bflag:$0x3] =	sbarrier.arrive $0xFFFF;
	s2 =	simm.s32 @!p0 $0x1C07  }
0xc2: {  	[timem:s3], [sflag:s2] =	dma.local @!p0 [hbm:s0], s1  }
0xc3: {  	s0 =	simm.s32 @!p0 $0x7  }
0xc4: {  	_ =	swait.ge @!p0 [sflag:s0], s1  }
0xc5: {  	s1 =	ssub.s32 @!p0 $0x0, s1;
	[sflag:s0] =	ssyncset.done @!p0 $0x0  }
0xc6: {  	[sflag:s0] =	ssyncadd.s32 @!p0 s1  }
0xc7: {  	[bflag:$0x3] =	sbarrier.arrive $0xFFFF  }
0xc8: {  	_ =	shalt  }

// kernel: kernel.15.cloned.1.call-start
scs
__scs_entry_jumppad:
0x0: {  	(pc) =	sbr.rel $0x88, $3  }
0x1: {  	(tag) =	ssettag $0x0;
	lr =	simm.s32 $0x1  }
0x2: {  	[smem:$0x3F8A] =	sst lr;
	_ =	strace $0xD0000000  }
0x3: {  	_ = 	snop  }
0x4: {  	_ = 	snop  }
0x5: {  	_ = 	snop  }
0x6: {  	_ = 	snop  }
0x7: {  	_ = 	snop  }
__scs_overlays_trampoline_lowered:
0x8: {  	[smem:$0x3F99] =	sst s0  }
0x9: {  	[smem:$0x3F9A] =	sst s1  }
0xa: {  	[smem:$0x3F9B] =	sst s2  }
0xb: {  	[smem:$0x3F9C] =	sst s3  }
0xc: {  	[smem:$0x3F9D] =	sst s4  }
0xd: {  	[smem:$0x3F9E] =	sst s5  }
0xe: {  	[smem:$0x3F9F] =	sst s6  }
0xf: {  	[smem:$0x3FA0] =	sst s7  }
0x10: {  	[smem:$0x3FA1] =	sst s8  }
0x11: {  	[smem:$0x3FA2] =	sst s9;
	s0 =	simm.s32 @!p0 $0x0  }
0x12: {  	s1 =	sld [smem:$0x3F88];
	s0 =	simm.s32 @p0 $0x1  }
0x13: {  	[smem:$0x3FA3] =	sst s0;
	s0 =	simm.s32 @!p1 $0x0  }
0x14: {  	s2 =	sld [smem:$0x3F87];
	s0 =	simm.s32 @p1 $0x1  }
0x15: {  	[smem:$0x3FA4] =	sst s0;
	s0 =	simm.s32 @!p2 $0x0  }
0x16: {  	s3 =	sld [smem:$0x3FDB];
	s0 =	simm.s32 @p2 $0x1  }
0x17: {  	s4 =	simm.s32 $0x1BF5;
	[smem:$0x3FA6] =	sst s0  }
0x18: {  	s0 =	sld [smem:$0x3F89];
	_ =	swait.ge [sflag:s4], $0x0  }
0x19: {  	s7 =	sld [smem:$0x3F8A]  }
0x1a: {  	s8 =	sadd.s32 $0xFFFFE003, lr  }
0x1b: {  	s9 =	sadd.s32 $0xFFFFFEF7, lr;
	s5 =	simm.s32 $0xFFFFFFFF;
	p2 =	slt.u32 s8, $0xFFFFF086  }
0x1c: {  	p1 =	slt.u32 s9, $0xF7A;
	s5 =	simm.s32 @!p2 $0x0  }
0x1d: {  	s5 =	simm.s32 @p1 $0x1;
	p0 =	seq.s32 s7, s2  }
0x1e: {  	s7 =	smul.u32 @!p0 $0xF7A, s2;
	p2 =	seq.s32 @!p0 s5, $0x0  }
0x1f: {  	s9 =	smul.u32 $0xF7A, s1;
	s8 =	simm.s32 @!p0 $0x1BF5;
	p2 =	por !p2, p0  }
0x20: {  	[sflag:s8] =	ssyncset.s32 @!p0 $0xFFFFF086;
	s6 =	sadd.s32 @!p0 s3, s7;
	s7 =	simm.s32 @!p0 $0x108  }
0x21: {  	s3 =	sadd.s32 s3, s9;
	s6 =	sadd.s32 @!p0 $0x88, s6;
	s7 =	simm.s32 @p2 $0x1082  }
0x22: {  	[simem:s7], [sflag:s8] =	dma.local @!p0 [hbm:s6], $0xF7A  }
0x23: {  	s9 =	sor.u32 $0xD0000000, s2;
	s6 =	simm.s32 $0x108;
	_ =	swait.ge @!p0 [sflag:s8], $0x0  }
0x24: {  	s3 =	sadd.s32 $0x88, s3;
	s6 =	simm.s32 @!p1 $0x1082;
	[sflag:s4] =	ssyncset.s32 $0xFFFFF086  }
0x25: {  	[simem:s6], [sflag:s4] =	dma.local [hbm:s3], $0xF7A  }
0x26: {  	[smem:$0x3F8A] =	sst s1;
	(tag) =	ssettag s2;
	_ =	strace s9  }
0x27: {  	s1 =	sld [smem:$0x3F9A]  }
0x28: {  	s2 =	sld [smem:$0x3F9B]  }
0x29: {  	s4 =	sld [smem:$0x3F9D]  }
0x2a: {  	p0 =	seq.s32 s5, $0x0;
	s5 =	sld [smem:$0x3F9E]  }
0x2b: {  	s6 =	sld [smem:$0x3F9F]  }
0x2c: {  	s7 =	sld [smem:$0x3FA0]  }
0x2d: {  	s3 =	simm.s32 $0x108;
	s8 =	sld [smem:$0x3FA1]  }
0x2e: {  	s3 =	simm.s32 @!p0 $0x1082;
	s9 =	sld [smem:$0x3FA2]  }
0x2f: {  	lr =	sadd.s32 s0, s3;
	s0 =	sld [smem:$0x3F99]  }
0x30: {  	s3 =	sld [smem:$0x3F9C]  }
0x31: {  	[smem:$0x3FA5] =	sst s10  }
0x32: {  	s10 =	sld [smem:$0x3FA3];
	_ =	sdelay $0x3  }
0x33: {  	p0 =	seq.s32 s10, $0x1;
	s10 =	sld [smem:$0x3FA5];
	_ =	sdelay $0x3  }
0x34: {  	[smem:$0x3FA5] =	sst s10  }
0x35: {  	s10 =	sld [smem:$0x3FA4];
	_ =	sdelay $0x3  }
0x36: {  	p1 =	seq.s32 s10, $0x1;
	s10 =	sld [smem:$0x3FA5];
	_ =	sdelay $0x3  }
0x37: {  	[smem:$0x3FA5] =	sst s10  }
0x38: {  	s10 =	sld [smem:$0x3FA6]  }
0x39: {  	_ = 	snop;
	(pc) =	sbr.ind lr, $3  }
0x3a: {  	_ = 	snop  }
0x3b: {  	_ = 	snop  }
0x3c: {  	p2 =	seq.s32 s10, $0x1;
	s10 =	sld [smem:$0x3FA5]  }
0x3d: {  	_ =	shalt  }
0x3e: {  	_ =	shalt  }
0x3f: {  	_ =	shalt  }
0x40: {  	_ =	shalt  }
0x41: {  	_ =	shalt  }
0x42: {  	_ =	shalt  }
0x43: {  	_ =	shalt  }
0x44: {  	_ =	shalt  }
0x45: {  	_ =	shalt  }
0x46: {  	_ =	shalt  }
0x47: {  	_ =	shalt  }
0x48: {  	_ =	shalt  }
0x49: {  	_ =	shalt  }
0x4a: {  	_ =	shalt  }
0x4b: {  	_ =	shalt  }
0x4c: {  	_ =	shalt  }
0x4d: {  	_ =	shalt  }
0x4e: {  	_ =	shalt  }
0x4f: {  	_ =	shalt  }
0x50: {  	_ =	shalt  }
0x51: {  	_ =	shalt  }
0x52: {  	_ =	shalt  }
0x53: {  	_ =	shalt  }
0x54: {  	_ =	shalt  }
0x55: {  	_ =	shalt  }
0x56: {  	_ =	shalt  }
0x57: {  	_ =	shalt  }
0x58: {  	_ =	shalt  }
0x59: {  	_ =	shalt  }
0x5a: {  	_ =	shalt  }
0x5b: {  	_ =	shalt  }
0x5c: {  	_ =	shalt  }
0x5d: {  	_ =	shalt  }
0x5e: {  	_ =	shalt  }
0x5f: {  	_ =	shalt  }
0x60: {  	_ =	shalt  }
0x61: {  	_ =	shalt  }
0x62: {  	_ =	shalt  }
0x63: {  	_ =	shalt  }
0x64: {  	_ =	shalt  }
0x65: {  	_ =	shalt  }
0x66: {  	_ =	shalt  }
0x67: {  	_ =	shalt  }
0x68: {  	_ =	shalt  }
0x69: {  	_ =	shalt  }
0x6a: {  	_ =	shalt  }
0x6b: {  	_ =	shalt  }
0x6c: {  	_ =	shalt  }
0x6d: {  	_ =	shalt  }
0x6e: {  	_ =	shalt  }
0x6f: {  	_ =	shalt  }
0x70: {  	_ =	shalt  }
0x71: {  	_ =	shalt  }
0x72: {  	_ =	shalt  }
0x73: {  	_ =	shalt  }
0x74: {  	_ =	shalt  }
0x75: {  	_ =	shalt  }
0x76: {  	_ =	shalt  }
0x77: {  	_ =	shalt  }
0x78: {  	_ =	shalt  }
0x79: {  	_ =	shalt  }
0x7a: {  	_ =	shalt  }
0x7b: {  	_ =	shalt  }
0x7c: {  	_ =	shalt  }
0x7d: {  	_ =	shalt  }
0x7e: {  	_ =	shalt  }
0x7f: {  	_ =	shalt  }
0x80: {  	_ =	shalt  }
0x81: {  	_ =	shalt  }
0x82: {  	_ =	shalt  }
0x83: {  	_ =	shalt  }
0x84: {  	_ =	shalt  }
0x85: {  	_ =	shalt  }
0x86: {  	_ =	shalt  }
0x87: {  	_ =	shalt  }
.Lfunc_end0:
.L_simem_size_0:
called_computation.2_lowered:
.L_overlay_start_0:
0x88: {  	s2 =	sld [smem:$0x3FD9]  }
0x89: {  	s3 =	sld [smem:$0x3FFE];
	_ =	sdelay $0x1  }
0x8a: {  	s1 =	srdreg.scid  }
0x8b: {  	s0 =	sand.u32 $0x1, s1  }
0x8c: {  	s16 =	sshll.u32 s0, $0xA;
	s2 =	sadd.s32 s3, s2  }
0x8d: {  	s2 =	sadd.s32 s2, s16  }
0x8e: {  	[smem:$0x3FB1] =	sst s2  }
0x8f: {  	_ = 	snop  }
0x90: {  	(tm) =	ssettm $0x1  }
0x91: {  	s17 =	sld [smem:$0x3FFB];
	_ =	sdelay $0x3  }
0x92: {  	_ =	strace s17  }
0x93: {  	s2 =	sld [smem:$0x3FFC];
	_ =	sdelay $0x3  }
0x94: {  	_ =	strace s2  }
0x95: {  	s2 =	sld [smem:$0x3FFD];
	_ =	sdelay $0x3  }
0x96: {  	_ =	strace s2  }
0x97: {  	_ =	strace $0x8FFFFFFF  }
0x98: {  	s18 =	sld [smem:$0x3FDB];
	_ =	sdelay $0x1  }
0x99: {  	s19 =	simm.s32 $_scs_section_size  }
0x9a: {  	s4 =	simm.s32 $_size__tile_overlayer_lowered;
	s5 =	simm.s32 $_tile_overlayer_lowered  }
0x9b: {  	s22 =	simm.s32 $0x1BFF;
	s21 =	sshll.u32 s5, $0x1;
	s2 =	sadd.s32 s19, s18  }
0x9c: {  	s6 =	simm.s32 $0x0;
	s20 =	sshll.u32 s4, $0x1;
	s4 =	sadd.s32 s21, s2  }
0x9d: {  	[timem:s6], [sflag:s22] =	dma.local [hbm:s4], s20  }
0x9e: {  	_ =	swait.ge [sflag:s22], s20  }
0x9f: {  	s3 =	ssub.s32 $0x0, s20;
	[sflag:s22] =	ssyncset.done $0x0  }
0xa0: {  	[sflag:s22] =	ssyncadd.s32 s3;
	_ =	sdelay $0x1  }
0xa1: {  	s23 =	simm.s32 $0x1B8B  }
0xa2: {  	_ =	swait.ge [sflag:s23], $0x1  }
0xa3: {  	[sflag:s23] =	ssyncset.done $0x0  }
0xa4: {  	s25 =	simm.s32 $0x1B8E;
	s24 =	sld [smem:$0x3FFE];
	[sflag:s23] =	ssyncadd.s32 $0xFFFFFFFF  }
0xa5: {  	s26 =	simm.s32 $execute0_lowered;
	[smem:$0x3FD2] =	sst s25  }
0xa6: {  	s4 =	sshll.u32 s26, $0x1;
	_ =	strace $0x8000004C;
	[dreg:$0x1] =	wrdreg $0xFFFFFFFF  }
0xa7: {  	s28 =	simm.s32 $_size_execute0_lowered;
	s2 =	sadd.s32 s2, s4;
	[dreg:$0x0] =	wrdreg $0x0  }
0xa8: {  	s4 =	sshll.u32 s28, $0x1;
	[dreg:$0x2] =	wrdreg s2  }
0xa9: {  	[dreg:$0x3] =	wrdreg s4  }
0xaa: {  	[dreg:$0x4] =	wrdreg $0xC0  }
0xab: {  	_ =	task [dreg:s6], $0x5FFFF  }
0xac: {  	[dreg:$0x1] =	wrdreg $0xFFFFFFFF  }
0xad: {  	[dreg:$0x0] =	wrdreg $0x60  }
0xae: {  	[dreg:$0x2] =	wrdreg s24  }
0xaf: {  	[dreg:$0x3] =	wrdreg $0x52000  }
0xb0: {  	[dreg:$0x4] =	wrdreg $0x9  }
0xb1: {  	_ =	task.clear_ibuf [dreg:s6], $0x5FFFF;
	_ =	strace $0x9000004C  }
0xb2: {  	s29 =	simm.s32 $0x9;
	_ =	strace $0x8000004E  }
0xb3: {  	_ =	swait.ge [sflag:s29], $0x1  }
0xb4: {  	[sflag:s29] =	ssyncadd.s32 $0xFFFFFFFF  }
0xb5: {  	_ =	strace $0x9000004E  }
0xb6: {  	_ =	sfence  }
0xb7: {  	s30 =	sld [smem:$0x0];
	_ =	sdelay $0x2  }
0xb8: {  	s31 =	sshll.u32 s1, $0xD;
	s1 =	sshrl.u32 s1, $0x2  }
0xb9: {  	s3 =	sand.u32 $0x4000, s31;
	s1 =	sadd.s32 s1, s30  }
0xba: {  	s0 =	sor.u32 s3, s0;
	s1 =	sshll.u32 s1, $0x11  }
0xbb: {  	s0 =	sor.u32 s1, s0  }
0xbc: {  	s0 =	sadd.s32 $0x8F2B, s0  }
0xbd: {  	[sflag:s0] =	ssyncadd.remote.s32 $0x1  }
0xbe: {  	_ =	sfence.sel $0xFFFF  }
0xbf: {  	[dreg:$0x0] =	wrdreg $0xFFFFFFFF;
	(pc) =	sbr.abs _section_cstart, $3  }
0xc0: {  	[dreg:$0x1] =	wrdreg $0xFFFFFFFF  }
0xc1: {  	_ =	task.clear_ibuf [dreg:s6], $0x2FFFF;
	_ =	strace $0x9FFFFFFF  }
0xc2: {  	(tm) =	ssettm $0x7FFFFFFF  }
0xc3: {  	_ =	shalt  }
tec
execute0_lowered:
.L_overlay_start_1:
0x0: {  	(tag) =	ssettag $0x1  }
0x1: {  	s0 =	rddreg [dreg:$0x0]  }
0x2: {  	s1 =	rddreg [dreg:$0x1]  }
0x3: {  	s3 =	simm.s32 $0x0;
	s13 =	stileid.u32;
	s2 =	srdreg.scid  }
0x4: {  	s28 =	simm.s32 $0x80;
	s29 =	simm.s32 $0x180;
	s30 =	simm.s32 $0x6  }
0x5: {  	s31 =	simm.s32 $0x2A00;
	[smem:$0x7FF] =	sst s3;
	s5 =	smul.u32 $0x2800, s13  }
0x6: {  	s4 =	sadd.s32 $0x2CA00, s0;
	s2 =	sand.u32 $0x1, s2;
	s10 =	smul.u32 $0x50000, s13  }
0x7: {  	s6 =	sadd.s32 $0x19000, s0;
	s8 =	sadd.s32 $0x5600, s0;
	s22 =	smul.u32 $0x4E20, s13  }
0x8: {  	_ =	strace $0x8000004D;
	s7 =	smul.u32 $0x28000, s2;
	s11 =	sshll.u32 s2, $0x4  }
0x9: {  	s24 =	ssub.s32 $0x2, s2;
	s19 =	smul.u32 $0x4E200, s2;
	s2 =	simm.s32 $0x3  }
0xa: {  	s9 =	sadd.s32 s5, s0;
	s11 =	sor.u32 s13, s11;
	s12 =	sshrl.u32 s24, $0x1  }
0xb: {  	s10 =	sshrl.u32 s10, $0x2;
	s5 =	sadd.s32 s5, s7;
	s11 =	smul.u32 $0x4E20, s11  }
0xc: {  	s25 =	ssub.s32 s24, s12;
	s26 =	sadd.s32 s10, s1;
	s9 =	sadd.s32 $0x54A00, s9  }
0xd: {  	s10 =	sshll.u32 s13, $0x6;
	s0 =	sadd.s32 s5, s0;
	[dreg:$0x3] =	wrdreg s26  }
0xe: {  	[dreg:$0x4] =	wrdreg s9;
	s7 =	sor.u32 $0x1C07, s10;
	s18 =	smax.u32 s25, $0x1  }
0xf: {  	s5 =	simm.s32 $0x2;
	s12 =	sshrl.u32 s11, $0x3;
	s0 =	sadd.s32 $0x7CA00, s0  }
0x10: {  	[dreg:$0x8] =	wrdreg s18;
	s16 =	sadd.s32 s6, s12;
	s17 =	sadd.s32 s8, s12  }
0x11: {  	[dreg:$0x7] =	wrdreg s0;
	s20 =	sadd.s32 $0xA, s12;
	s21 =	sadd.s32 $0x14, s12  }
0x12: {  	s24 =	sadd.s32 $0x9BA, s12;
	s0 =	sadd.s32 s22, s19;
	[dreg:$0x5] =	wrdreg s16  }
0x13: {  	s22 =	simm.s32 $0x7;
	[dreg:$0x6] =	wrdreg s17;
	s23 =	sadd.s32 s6, s20  }
0x14: {  	s13 =	sadd.s32 s8, s20;
	s14 =	sadd.s32 s6, s21;
	s15 =	sadd.s32 s8, s21  }
0x15: {  	s16 =	sadd.s32 s6, s24;
	s25 =	sadd.s32 $0x140, s0;
	s0 =	sadd.s32 $0xF0, s0  }
0x16: {  	s17 =	sadd.s32 s8, s24;
	s24 =	simm.s32 $0x5;
	[dreg:$0x9] =	wrdreg s23  }
0x17: {  	s26 =	sshrl.u32 s25, $0x3;
	s0 =	sshrl.u32 s0, $0x3;
	s23 =	simm.s32 $0x100  }
0x18: {  	s25 =	simm.s32 $0x50;
	s18 =	sadd.s32 s26, s8;
	s19 =	sadd.s32 s26, s6  }
0x19: {  	s20 =	sadd.s32 s0, s8;
	s21 =	sadd.s32 s0, s6;
	s26 =	simm.s32 $0x200  }
0x1a: {  	s0 =	simm.s32 $0x1;
	s6 =	simm.s32 $0x4;
	s8 =	simm.s32 $0x0  }
.LBB2_1:
0x1b: {  	s9 =	rddreg [dreg:$0x3]  }
0x1c: {  	s10 =	rddreg [dreg:$0x4];
	s9 =	sshrl.u32 s9, $0x3  }
0x1d: {  	[spmem:s9], [sflag:s7] =	dma.local [hbm:s10], $0x2800  }
0x1e: {  	_ =	swait.ge [sflag:s22], $0x2800  }
0x1f: {  	[sflag:s22] =	ssyncset.done $0x0  }
0x20: {  	[sflag:s22] =	ssyncadd.s32 $0xFFFFD800  }
0x21: {  	[bflag:$0x0] =	sbarrier.arrive $0xFFFF  }
0x22: {  	s12 =	rddreg [dreg:$0x5]  }
0x23: {  	[tilespmem:s3], [sflag:$0x5] =	stream.linear.gather [hbm4b:s12+s3], $0x50, $0x38;
	[tilespmem:$0x19200] =	vst v63  }
0x24: {  	s11 =	rddreg [dreg:$0x6]  }
0x25: {  	[tilespmem:s23], [sflag:$0x5] =	stream.linear.gather [hbm4b:s11+s3], $0x50, $0x38;
	[tilespmem:$0x19200] =	vst v63  }
0x26: {  	_ =	swait.ge [sflag:s24], $0x50  }
0x27: {  	[sflag:s24] =	ssyncset.done $0x0  }
0x28: {  	[sflag:s24] =	ssyncadd.s32 $0xFFFFFFB0  }
0x29: {  	_ =	swait.ge [sflag:s24], $0x50  }
0x2a: {  	[sflag:s24] =	ssyncset.done $0x0  }
0x2b: {  	[sflag:s24] =	ssyncadd.s32 $0xFFFFFFB0  }
0x2c: {  	[tilespmem:s26], [sflag:$0x1] =	stream.indirect.gather [hbm4b:s4+s25], $0x80, s3, s25, $0xb8;
	[tilespmem:$0x19200] =	vst v63  }
0x2d: {  	s12 =	rddreg [dreg:$0x9]  }
0x2e: {  	[tilespmem:s28], [sflag:$0x6] =	stream.linear.gather [hbm4b:s12+s3], $0x50, $0x38;
	[tilespmem:$0x19200] =	vst v63  }
0x2f: {  	_ = 	snop  }
0x30: {  	[tilespmem:s29], [sflag:$0x6] =	stream.linear.gather [hbm4b:s13+s3], $0x50, $0x38;
	[tilespmem:$0x19200] =	vst v63  }
0x31: {  	_ =	swait.ge [sflag:s30], $0x50  }
0x32: {  	[sflag:s30] =	ssyncset.done $0x0  }
0x33: {  	[sflag:s30] =	ssyncadd.s32 $0xFFFFFFB0  }
0x34: {  	_ =	swait.ge [sflag:s30], $0x50  }
0x35: {  	[sflag:s30] =	ssyncset.done $0x0  }
0x36: {  	[sflag:s30] =	ssyncadd.s32 $0xFFFFFFB0  }
0x37: {  	[tilespmem:s31], [sflag:$0x2] =	stream.indirect.gather [hbm4b:s4+s25], $0x80, s28, s25, $0xb8;
	[tilespmem:$0x19200] =	vst v63  }
0x38: {  	_ =	swait.ge [sflag:s0], $0x2800  }
0x39: {  	[sflag:s0] =	ssyncset.done $0x0  }
0x3a: {  	[sflag:s0] =	ssyncadd.s32 $0xFFFFD800  }
0x3b: {  	[spmem:s1] =	stream.indirect.scatter.add.f32 [tilespmem:s26], [sflag:$0x3], $0x80, s23, s25, $0xb8;
	[tilespmem:$0x19200] =	vst v63  }
0x3c: {  	_ = 	snop  }
0x3d: {  	[tilespmem:s3], [sflag:$0x5] =	stream.linear.gather [hbm4b:s14+s3], $0x50, $0x38;
	[tilespmem:$0x19200] =	vst v63  }
0x3e: {  	_ =	swait.ge [sflag:s2], $0x2800  }
0x3f: {  	[sflag:s2] =	ssyncset.done $0x0  }
0x40: {  	[sflag:s2] =	ssyncadd.s32 $0xFFFFD800  }
0x41: {  	[tilespmem:s23], [sflag:$0x5] =	stream.linear.gather [hbm4b:s15+s3], $0x50, $0x38;
	[tilespmem:$0x19200] =	vst v63  }
0x42: {  	_ =	swait.ge [sflag:s24], $0x50  }
0x43: {  	[sflag:s24] =	ssyncset.done $0x0  }
0x44: {  	[sflag:s24] =	ssyncadd.s32 $0xFFFFFFB0  }
0x45: {  	_ =	swait.ge [sflag:s24], $0x50  }
0x46: {  	[sflag:s24] =	ssyncset.done $0x0  }
0x47: {  	[sflag:s24] =	ssyncadd.s32 $0xFFFFFFB0  }
0x48: {  	[tilespmem:s26], [sflag:$0x1] =	stream.indirect.gather [hbm4b:s4+s25], $0x80, s3, s25, $0xb8;
	[tilespmem:$0x19200] =	vst v63  }
0x49: {  	_ =	swait.ge [sflag:s5], $0x2800  }
0x4a: {  	[sflag:s5] =	ssyncset.done $0x0  }
0x4b: {  	[sflag:s5] =	ssyncadd.s32 $0xFFFFD800  }
0x4c: {  	[spmem:s1] =	stream.indirect.scatter.add.f32 [tilespmem:s31], [sflag:$0x4], $0x80, s29, s25, $0xb8;
	[tilespmem:$0x19200] =	vst v63  }
0x4d: {  	s11 =	sadd.s32 $0x0, s21  }
0x4e: {  	[tilespmem:s28], [sflag:$0x6] =	stream.linear.gather [hbm4b:s11+s3], $0x50, $0x38;
	[tilespmem:$0x19200] =	vst v63  }
0x4f: {  	_ =	swait.ge [sflag:s6], $0x2800  }
0x50: {  	[sflag:s6] =	ssyncset.done $0x0  }
0x51: {  	s12 =	sadd.s32 $0x0, s20;
	[sflag:s6] =	ssyncadd.s32 $0xFFFFD800  }
0x52: {  	[tilespmem:s29], [sflag:$0x6] =	stream.linear.gather [hbm4b:s12+s3], $0x50, $0x38;
	[tilespmem:$0x19200] =	vst v63  }
0x53: {  	_ =	swait.ge [sflag:s30], $0x50  }
0x54: {  	[sflag:s30] =	ssyncset.done $0x0  }
0x55: {  	[sflag:s30] =	ssyncadd.s32 $0xFFFFFFB0  }
0x56: {  	_ =	swait.ge [sflag:s30], $0x50  }
0x57: {  	[sflag:s30] =	ssyncset.done $0x0  }
0x58: {  	[sflag:s30] =	ssyncadd.s32 $0xFFFFFFB0  }
0x59: {  	[tilespmem:s31], [sflag:$0x2] =	stream.indirect.gather [hbm4b:s4+s25], $0x80, s28, s25, $0xb8;
	[tilespmem:$0x19200] =	vst v63  }
0x5a: {  	_ =	swait.ge [sflag:s0], $0x2800  }
0x5b: {  	[sflag:s0] =	ssyncset.done $0x0  }
0x5c: {  	[sflag:s0] =	ssyncadd.s32 $0xFFFFD800  }
0x5d: {  	[spmem:s1] =	stream.indirect.scatter.add.f32 [tilespmem:s26], [sflag:$0x3], $0x80, s23, s25, $0xb8;
	[tilespmem:$0x19200] =	vst v63  }
0x5e: {  	s11 =	sadd.s32 $0x0, s19  }
0x5f: {  	[tilespmem:s3], [sflag:$0x5] =	stream.linear.gather [hbm4b:s11+s3], $0x50, $0x38;
	[tilespmem:$0x19200] =	vst v63  }
0x60: {  	_ =	swait.ge [sflag:s2], $0x2800  }
0x61: {  	[sflag:s2] =	ssyncset.done $0x0  }
0x62: {  	s12 =	sadd.s32 $0x0, s18;
	[sflag:s2] =	ssyncadd.s32 $0xFFFFD800  }
0x63: {  	[tilespmem:s23], [sflag:$0x5] =	stream.linear.gather [hbm4b:s12+s3], $0x50, $0x38;
	[tilespmem:$0x19200] =	vst v63  }
0x64: {  	_ =	swait.ge [sflag:s24], $0x50  }
0x65: {  	[sflag:s24] =	ssyncset.done $0x0  }
0x66: {  	[sflag:s24] =	ssyncadd.s32 $0xFFFFFFB0  }
0x67: {  	_ =	swait.ge [sflag:s24], $0x50  }
0x68: {  	[sflag:s24] =	ssyncset.done $0x0  }
0x69: {  	[sflag:s24] =	ssyncadd.s32 $0xFFFFFFB0  }
0x6a: {  	[tilespmem:s26], [sflag:$0x1] =	stream.indirect.gather [hbm4b:s4+s25], $0x80, s3, s25, $0xb8;
	[tilespmem:$0x19200] =	vst v63  }
0x6b: {  	_ =	swait.ge [sflag:s5], $0x2800  }
0x6c: {  	[sflag:s5] =	ssyncset.done $0x0  }
0x6d: {  	s10 =	simm.s32 $0x14;
	[sflag:s5] =	ssyncadd.s32 $0xFFFFD800  }
.LBB2_2:
0x6e: {  	[spmem:s1] =	stream.indirect.scatter.add.f32 [tilespmem:s31], [sflag:$0x4], $0x80, s29, s25, $0xb8;
	[tilespmem:$0x19200] =	vst v63  }
0x6f: {  	s11 =	smov.u32 s10  }
0x70: {  	p0 =	sne.s32 s10, $0x988;
	s10 =	sadd.s32 $0x14, s10;
	s12 =	sadd.s32 s11, s21  }
0x71: {  	[tilespmem:s28], [sflag:$0x6] =	stream.linear.gather [hbm4b:s12+s3], $0x50, $0x38;
	[tilespmem:$0x19200] =	vst v63  }
0x72: {  	_ =	swait.ge [sflag:s6], $0x2800  }
0x73: {  	[sflag:s6] =	ssyncset.done $0x0  }
0x74: {  	s12 =	sadd.s32 s11, s20;
	[sflag:s6] =	ssyncadd.s32 $0xFFFFD800  }
0x75: {  	[tilespmem:s29], [sflag:$0x6] =	stream.linear.gather [hbm4b:s12+s3], $0x50, $0x38;
	[tilespmem:$0x19200] =	vst v63  }
0x76: {  	_ =	swait.ge [sflag:s30], $0x50  }
0x77: {  	[sflag:s30] =	ssyncset.done $0x0  }
0x78: {  	[sflag:s30] =	ssyncadd.s32 $0xFFFFFFB0  }
0x79: {  	_ =	swait.ge [sflag:s30], $0x50  }
0x7a: {  	[sflag:s30] =	ssyncset.done $0x0  }
0x7b: {  	[sflag:s30] =	ssyncadd.s32 $0xFFFFFFB0  }
0x7c: {  	[tilespmem:s31], [sflag:$0x2] =	stream.indirect.gather [hbm4b:s4+s25], $0x80, s28, s25, $0xb8;
	[tilespmem:$0x19200] =	vst v63  }
0x7d: {  	_ =	swait.ge [sflag:s0], $0x2800  }
0x7e: {  	[sflag:s0] =	ssyncset.done $0x0  }
0x7f: {  	[sflag:s0] =	ssyncadd.s32 $0xFFFFD800  }
0x80: {  	[spmem:s1] =	stream.indirect.scatter.add.f32 [tilespmem:s26], [sflag:$0x3], $0x80, s23, s25, $0xb8;
	[tilespmem:$0x19200] =	vst v63  }
0x81: {  	s12 =	sadd.s32 s11, s19  }
0x82: {  	[tilespmem:s3], [sflag:$0x5] =	stream.linear.gather [hbm4b:s12+s3], $0x50, $0x38;
	[tilespmem:$0x19200] =	vst v63  }
0x83: {  	_ =	swait.ge [sflag:s2], $0x2800  }
0x84: {  	[sflag:s2] =	ssyncset.done $0x0  }
0x85: {  	s11 =	sadd.s32 s11, s18;
	[sflag:s2] =	ssyncadd.s32 $0xFFFFD800  }
0x86: {  	[tilespmem:s23], [sflag:$0x5] =	stream.linear.gather [hbm4b:s11+s3], $0x50, $0x38;
	[tilespmem:$0x19200] =	vst v63  }
0x87: {  	_ =	swait.ge [sflag:s24], $0x50  }
0x88: {  	[sflag:s24] =	ssyncset.done $0x0  }
0x89: {  	[sflag:s24] =	ssyncadd.s32 $0xFFFFFFB0  }
0x8a: {  	_ =	swait.ge [sflag:s24], $0x50  }
0x8b: {  	[sflag:s24] =	ssyncset.done $0x0  }
.Ltmp0:
0x8c: {  	[sflag:s24] =	ssyncadd.s32 $0xFFFFFFB0;
	(pc) =	sbr.rel @p0 .LBB2_2-.Ltmp0, $4  }
0x8d: {  	[tilespmem:s26], [sflag:$0x1] =	stream.indirect.gather [hbm4b:s4+s25], $0x80, s3, s25, $0xb8;
	[tilespmem:$0x19200] =	vst v63  }
0x8e: {  	_ =	swait.ge [sflag:s5], $0x2800  }
0x8f: {  	[sflag:s5] =	ssyncset.done $0x0  }
0x90: {  	[sflag:s5] =	ssyncadd.s32 $0xFFFFD800  }
0x91: {  	[spmem:s1] =	stream.indirect.scatter.add.f32 [tilespmem:s31], [sflag:$0x4], $0x80, s29, s25, $0xb8;
	[tilespmem:$0x19200] =	vst v63  }
0x92: {  	_ = 	snop  }
0x93: {  	[tilespmem:s28], [sflag:$0x6] =	stream.linear.gather [hbm4b:s16+s3], $0x50, $0x38;
	[tilespmem:$0x19200] =	vst v63  }
0x94: {  	_ =	swait.ge [sflag:s6], $0x2800  }
0x95: {  	[sflag:s6] =	ssyncset.done $0x0  }
0x96: {  	[sflag:s6] =	ssyncadd.s32 $0xFFFFD800  }
0x97: {  	[tilespmem:s29], [sflag:$0x6] =	stream.linear.gather [hbm4b:s17+s3], $0x50, $0x38;
	[tilespmem:$0x19200] =	vst v63  }
0x98: {  	_ =	swait.ge [sflag:s30], $0x50  }
0x99: {  	[sflag:s30] =	ssyncset.done $0x0  }
0x9a: {  	[sflag:s30] =	ssyncadd.s32 $0xFFFFFFB0  }
0x9b: {  	_ =	swait.ge [sflag:s30], $0x50  }
0x9c: {  	[sflag:s30] =	ssyncset.done $0x0  }
0x9d: {  	[sflag:s30] =	ssyncadd.s32 $0xFFFFFFB0  }
0x9e: {  	[tilespmem:s31], [sflag:$0x2] =	stream.indirect.gather [hbm4b:s4+s25], $0x80, s28, s25, $0xb8;
	[tilespmem:$0x19200] =	vst v63  }
0x9f: {  	_ =	swait.ge [sflag:s0], $0x2800  }
0xa0: {  	[sflag:s0] =	ssyncset.done $0x0  }
0xa1: {  	[sflag:s0] =	ssyncadd.s32 $0xFFFFD800  }
0xa2: {  	[spmem:s1] =	stream.indirect.scatter.add.f32 [tilespmem:s26], [sflag:$0x3], $0x80, s23, s25, $0xb8;
	[tilespmem:$0x19200] =	vst v63  }
0xa3: {  	_ =	swait.ge [sflag:s5], $0x2800  }
0xa4: {  	[sflag:s5] =	ssyncset.done $0x0  }
0xa5: {  	[sflag:s5] =	ssyncadd.s32 $0xFFFFD800  }
0xa6: {  	[spmem:s1] =	stream.indirect.scatter.add.f32 [tilespmem:s31], [sflag:$0x4], $0x80, s29, s25, $0xb8;
	[tilespmem:$0x19200] =	vst v63  }
0xa7: {  	_ =	swait.ge [sflag:s2], $0x2800  }
0xa8: {  	[sflag:s2] =	ssyncset.done $0x0  }
0xa9: {  	[sflag:s2] =	ssyncadd.s32 $0xFFFFD800  }
0xaa: {  	_ =	swait.ge [sflag:s6], $0x2800  }
0xab: {  	[sflag:s6] =	ssyncset.done $0x0  }
0xac: {  	[sflag:s6] =	ssyncadd.s32 $0xFFFFD800  }
0xad: {  	[bflag:$0x0] =	sbarrier.arrive $0xFFFF  }
0xae: {  	s10 =	rddreg [dreg:$0x7]  }
0xaf: {  	[hbm:s10], [sflag:s7] =	dma.local [spmem:s9], $0x2800  }
0xb0: {  	_ =	swait.ge [sflag:s22], $0x2800  }
0xb1: {  	s8 =	sadd.s32 $0x1, s8;
	s12 =	rddreg [dreg:$0x8]  }
0xb2: {  	p0 =	sne.s32 s8, s12  }
.Ltmp1:
0xb3: {  	_ = 	snop;
	(pc) =	sbr.rel @p0 .LBB2_1-.Ltmp1, $3  }
0xb4: {  	_ =	sdelay $0x1  }
0xb5: {  	[sflag:s22] =	ssyncset.done $0x0  }
0xb6: {  	[sflag:s22] =	ssyncadd.s32 $0xFFFFD800  }
0xb7: {  	_ =	sfence.sel $0x180000  }
0xb8: {  	[bflag:$0x0] =	sbarrier.arrive $0xFFFF  }
0xb9: {  	_ =	strace $0x9000004D  }
0xba: {  	s0 =	stileid.u32;
	[bflag:$0x2] =	sbarrier.arrive $0xFFFF  }
0xbb: {  	p0 =	sne.s32 s0, $0x0;
	s0 =	rddreg [dreg:$0x2]  }
0xbc: {  	s0 =	sadd.s32 @!p0 $0x100000, s0  }
0xbd: {  	[sflag:s0] =	ssyncadd.tile.s32 @!p0 $0x1;
	_ =	shalt  }
.Lfunc_end2:
_tile_overlayer_lowered:
.L_overlay_start_2:
0xbe: {  	(tag) =	ssettag $0x2  }
0xbf: {  	s0 =	rddreg [dreg:$0x0];
	s2 =	stileid.u32  }
0xc0: {  	s1 =	rddreg [dreg:$0x1];
	p0 =	sne.s32 s2, $0x0  }
0xc1: {  	s3 =	rddreg [dreg:$0x2];
	[bflag:$0x3] =	sbarrier.arrive $0xFFFF;
	s2 =	simm.s32 @!p0 $0x1C07  }
0xc2: {  	[timem:s3], [sflag:s2] =	dma.local @!p0 [hbm:s0], s1  }
0xc3: {  	s0 =	simm.s32 @!p0 $0x7  }
0xc4: {  	_ =	swait.ge @!p0 [sflag:s0], s1  }
0xc5: {  	s1 =	ssub.s32 @!p0 $0x0, s1;
	[sflag:s0] =	ssyncset.done @!p0 $0x0  }
0xc6: {  	[sflag:s0] =	ssyncadd.s32 @!p0 s1  }
0xc7: {  	[bflag:$0x3] =	sbarrier.arrive $0xFFFF  }
0xc8: {  	_ =	shalt  }

// kernel: kernel.9.cloned.1.call-start
scs
__scs_entry_jumppad:
0x0: {  	(pc) =	sbr.rel $0x88, $3  }
0x1: {  	(tag) =	ssettag $0x0;
	lr =	simm.s32 $0x1  }
0x2: {  	[smem:$0x3F8A] =	sst lr;
	_ =	strace $0xD0000000  }
0x3: {  	_ = 	snop  }
0x4: {  	_ = 	snop  }
0x5: {  	_ = 	snop  }
0x6: {  	_ = 	snop  }
0x7: {  	_ = 	snop  }
__scs_overlays_trampoline_lowered:
0x8: {  	[smem:$0x3F99] =	sst s0  }
0x9: {  	[smem:$0x3F9A] =	sst s1  }
0xa: {  	[smem:$0x3F9B] =	sst s2  }
0xb: {  	[smem:$0x3F9C] =	sst s3  }
0xc: {  	[smem:$0x3F9D] =	sst s4  }
0xd: {  	[smem:$0x3F9E] =	sst s5  }
0xe: {  	[smem:$0x3F9F] =	sst s6  }
0xf: {  	[smem:$0x3FA0] =	sst s7  }
0x10: {  	[smem:$0x3FA1] =	sst s8  }
0x11: {  	[smem:$0x3FA2] =	sst s9;
	s0 =	simm.s32 @!p0 $0x0  }
0x12: {  	s1 =	sld [smem:$0x3F88];
	s0 =	simm.s32 @p0 $0x1  }
0x13: {  	[smem:$0x3FA3] =	sst s0;
	s0 =	simm.s32 @!p1 $0x0  }
0x14: {  	s2 =	sld [smem:$0x3F87];
	s0 =	simm.s32 @p1 $0x1  }
0x15: {  	[smem:$0x3FA4] =	sst s0;
	s0 =	simm.s32 @!p2 $0x0  }
0x16: {  	s3 =	sld [smem:$0x3FDB];
	s0 =	simm.s32 @p2 $0x1  }
0x17: {  	s4 =	simm.s32 $0x1BF5;
	[smem:$0x3FA6] =	sst s0  }
0x18: {  	s0 =	sld [smem:$0x3F89];
	_ =	swait.ge [sflag:s4], $0x0  }
0x19: {  	s7 =	sld [smem:$0x3F8A]  }
0x1a: {  	s8 =	sadd.s32 $0xFFFFE003, lr  }
0x1b: {  	s9 =	sadd.s32 $0xFFFFFEF7, lr;
	s5 =	simm.s32 $0xFFFFFFFF;
	p2 =	slt.u32 s8, $0xFFFFF086  }
0x1c: {  	p1 =	slt.u32 s9, $0xF7A;
	s5 =	simm.s32 @!p2 $0x0  }
0x1d: {  	s5 =	simm.s32 @p1 $0x1;
	p0 =	seq.s32 s7, s2  }
0x1e: {  	s7 =	smul.u32 @!p0 $0xF7A, s2;
	p2 =	seq.s32 @!p0 s5, $0x0  }
0x1f: {  	s9 =	smul.u32 $0xF7A, s1;
	s8 =	simm.s32 @!p0 $0x1BF5;
	p2 =	por !p2, p0  }
0x20: {  	[sflag:s8] =	ssyncset.s32 @!p0 $0xFFFFF086;
	s6 =	sadd.s32 @!p0 s3, s7;
	s7 =	simm.s32 @!p0 $0x108  }
0x21: {  	s3 =	sadd.s32 s3, s9;
	s6 =	sadd.s32 @!p0 $0x88, s6;
	s7 =	simm.s32 @p2 $0x1082  }
0x22: {  	[simem:s7], [sflag:s8] =	dma.local @!p0 [hbm:s6], $0xF7A  }
0x23: {  	s9 =	sor.u32 $0xD0000000, s2;
	s6 =	simm.s32 $0x108;
	_ =	swait.ge @!p0 [sflag:s8], $0x0  }
0x24: {  	s3 =	sadd.s32 $0x88, s3;
	s6 =	simm.s32 @!p1 $0x1082;
	[sflag:s4] =	ssyncset.s32 $0xFFFFF086  }
0x25: {  	[simem:s6], [sflag:s4] =	dma.local [hbm:s3], $0xF7A  }
0x26: {  	[smem:$0x3F8A] =	sst s1;
	(tag) =	ssettag s2;
	_ =	strace s9  }
0x27: {  	s1 =	sld [smem:$0x3F9A]  }
0x28: {  	s2 =	sld [smem:$0x3F9B]  }
0x29: {  	s4 =	sld [smem:$0x3F9D]  }
0x2a: {  	p0 =	seq.s32 s5, $0x0;
	s5 =	sld [smem:$0x3F9E]  }
0x2b: {  	s6 =	sld [smem:$0x3F9F]  }
0x2c: {  	s7 =	sld [smem:$0x3FA0]  }
0x2d: {  	s3 =	simm.s32 $0x108;
	s8 =	sld [smem:$0x3FA1]  }
0x2e: {  	s3 =	simm.s32 @!p0 $0x1082;
	s9 =	sld [smem:$0x3FA2]  }
0x2f: {  	lr =	sadd.s32 s0, s3;
	s0 =	sld [smem:$0x3F99]  }
0x30: {  	s3 =	sld [smem:$0x3F9C]  }
0x31: {  	[smem:$0x3FA5] =	sst s10  }
0x32: {  	s10 =	sld [smem:$0x3FA3];
	_ =	sdelay $0x3  }
0x33: {  	p0 =	seq.s32 s10, $0x1;
	s10 =	sld [smem:$0x3FA5];
	_ =	sdelay $0x3  }
0x34: {  	[smem:$0x3FA5] =	sst s10  }
0x35: {  	s10 =	sld [smem:$0x3FA4];
	_ =	sdelay $0x3  }
0x36: {  	p1 =	seq.s32 s10, $0x1;
	s10 =	sld [smem:$0x3FA5];
	_ =	sdelay $0x3  }
0x37: {  	[smem:$0x3FA5] =	sst s10  }
0x38: {  	s10 =	sld [smem:$0x3FA6]  }
0x39: {  	_ = 	snop;
	(pc) =	sbr.ind lr, $3  }
0x3a: {  	_ = 	snop  }
0x3b: {  	_ = 	snop  }
0x3c: {  	p2 =	seq.s32 s10, $0x1;
	s10 =	sld [smem:$0x3FA5]  }
0x3d: {  	_ =	shalt  }
0x3e: {  	_ =	shalt  }
0x3f: {  	_ =	shalt  }
0x40: {  	_ =	shalt  }
0x41: {  	_ =	shalt  }
0x42: {  	_ =	shalt  }
0x43: {  	_ =	shalt  }
0x44: {  	_ =	shalt  }
0x45: {  	_ =	shalt  }
0x46: {  	_ =	shalt  }
0x47: {  	_ =	shalt  }
0x48: {  	_ =	shalt  }
0x49: {  	_ =	shalt  }
0x4a: {  	_ =	shalt  }
0x4b: {  	_ =	shalt  }
0x4c: {  	_ =	shalt  }
0x4d: {  	_ =	shalt  }
0x4e: {  	_ =	shalt  }
0x4f: {  	_ =	shalt  }
0x50: {  	_ =	shalt  }
0x51: {  	_ =	shalt  }
0x52: {  	_ =	shalt  }
0x53: {  	_ =	shalt  }
0x54: {  	_ =	shalt  }
0x55: {  	_ =	shalt  }
0x56: {  	_ =	shalt  }
0x57: {  	_ =	shalt  }
0x58: {  	_ =	shalt  }
0x59: {  	_ =	shalt  }
0x5a: {  	_ =	shalt  }
0x5b: {  	_ =	shalt  }
0x5c: {  	_ =	shalt  }
0x5d: {  	_ =	shalt  }
0x5e: {  	_ =	shalt  }
0x5f: {  	_ =	shalt  }
0x60: {  	_ =	shalt  }
0x61: {  	_ =	shalt  }
0x62: {  	_ =	shalt  }
0x63: {  	_ =	shalt  }
0x64: {  	_ =	shalt  }
0x65: {  	_ =	shalt  }
0x66: {  	_ =	shalt  }
0x67: {  	_ =	shalt  }
0x68: {  	_ =	shalt  }
0x69: {  	_ =	shalt  }
0x6a: {  	_ =	shalt  }
0x6b: {  	_ =	shalt  }
0x6c: {  	_ =	shalt  }
0x6d: {  	_ =	shalt  }
0x6e: {  	_ =	shalt  }
0x6f: {  	_ =	shalt  }
0x70: {  	_ =	shalt  }
0x71: {  	_ =	shalt  }
0x72: {  	_ =	shalt  }
0x73: {  	_ =	shalt  }
0x74: {  	_ =	shalt  }
0x75: {  	_ =	shalt  }
0x76: {  	_ =	shalt  }
0x77: {  	_ =	shalt  }
0x78: {  	_ =	shalt  }
0x79: {  	_ =	shalt  }
0x7a: {  	_ =	shalt  }
0x7b: {  	_ =	shalt  }
0x7c: {  	_ =	shalt  }
0x7d: {  	_ =	shalt  }
0x7e: {  	_ =	shalt  }
0x7f: {  	_ =	shalt  }
0x80: {  	_ =	shalt  }
0x81: {  	_ =	shalt  }
0x82: {  	_ =	shalt  }
0x83: {  	_ =	shalt  }
0x84: {  	_ =	shalt  }
0x85: {  	_ =	shalt  }
0x86: {  	_ =	shalt  }
0x87: {  	_ =	shalt  }
.Lfunc_end0:
.L_simem_size_0:
called_computation_lowered:
.L_overlay_start_0:
0x88: {  	s2 =	sld [smem:$0x3FD9]  }
0x89: {  	s3 =	sld [smem:$0x3FFE];
	_ =	sdelay $0x1  }
0x8a: {  	s1 =	srdreg.scid  }
0x8b: {  	s0 =	sand.u32 $0x1, s1  }
0x8c: {  	s16 =	sshll.u32 s0, $0xA;
	s2 =	sadd.s32 s3, s2  }
0x8d: {  	s2 =	sadd.s32 s2, s16  }
0x8e: {  	[smem:$0x3FB1] =	sst s2  }
0x8f: {  	_ = 	snop  }
0x90: {  	(tm) =	ssettm $0x1  }
0x91: {  	s17 =	sld [smem:$0x3FFB];
	_ =	sdelay $0x3  }
0x92: {  	_ =	strace s17  }
0x93: {  	s2 =	sld [smem:$0x3FFC];
	_ =	sdelay $0x3  }
0x94: {  	_ =	strace s2  }
0x95: {  	s2 =	sld [smem:$0x3FFD];
	_ =	sdelay $0x3  }
0x96: {  	_ =	strace s2  }
0x97: {  	_ =	strace $0x8FFFFFFF  }
0x98: {  	s18 =	sld [smem:$0x3FDB];
	_ =	sdelay $0x1  }
0x99: {  	s19 =	simm.s32 $_scs_section_size  }
0x9a: {  	s4 =	simm.s32 $_size__tile_overlayer_lowered;
	s5 =	simm.s32 $_tile_overlayer_lowered  }
0x9b: {  	s22 =	simm.s32 $0x1BFF;
	s21 =	sshll.u32 s5, $0x1;
	s2 =	sadd.s32 s19, s18  }
0x9c: {  	s6 =	simm.s32 $0x0;
	s20 =	sshll.u32 s4, $0x1;
	s4 =	sadd.s32 s21, s2  }
0x9d: {  	[timem:s6], [sflag:s22] =	dma.local [hbm:s4], s20  }
0x9e: {  	_ =	swait.ge [sflag:s22], s20  }
0x9f: {  	s3 =	ssub.s32 $0x0, s20;
	[sflag:s22] =	ssyncset.done $0x0  }
0xa0: {  	[sflag:s22] =	ssyncadd.s32 s3;
	_ =	sdelay $0x1  }
0xa1: {  	s23 =	simm.s32 $0x1B8B  }
0xa2: {  	_ =	swait.ge [sflag:s23], $0x1  }
0xa3: {  	[sflag:s23] =	ssyncset.done $0x0  }
0xa4: {  	s25 =	simm.s32 $0x1B8E;
	s24 =	sld [smem:$0x3FFE];
	[sflag:s23] =	ssyncadd.s32 $0xFFFFFFFF  }
0xa5: {  	s26 =	simm.s32 $execute0_lowered;
	[smem:$0x3FD2] =	sst s25  }
0xa6: {  	s4 =	sshll.u32 s26, $0x1;
	_ =	strace $0x80000046;
	[dreg:$0x1] =	wrdreg $0xFFFFFFFF  }
0xa7: {  	s28 =	simm.s32 $_size_execute0_lowered;
	s2 =	sadd.s32 s2, s4;
	[dreg:$0x0] =	wrdreg $0x0  }
0xa8: {  	s4 =	sshll.u32 s28, $0x1;
	[dreg:$0x2] =	wrdreg s2  }
0xa9: {  	[dreg:$0x3] =	wrdreg s4  }
0xaa: {  	[dreg:$0x4] =	wrdreg $0xC0  }
0xab: {  	_ =	task [dreg:s6], $0x5FFFF  }
0xac: {  	[dreg:$0x1] =	wrdreg $0xFFFFFFFF  }
0xad: {  	[dreg:$0x0] =	wrdreg $0x60  }
0xae: {  	[dreg:$0x2] =	wrdreg s24  }
0xaf: {  	[dreg:$0x3] =	wrdreg $0x52000  }
0xb0: {  	[dreg:$0x4] =	wrdreg $0x9  }
0xb1: {  	_ =	task.clear_ibuf [dreg:s6], $0x5FFFF;
	_ =	strace $0x90000046  }
0xb2: {  	s29 =	simm.s32 $0x9;
	_ =	strace $0x80000048  }
0xb3: {  	_ =	swait.ge [sflag:s29], $0x1  }
0xb4: {  	[sflag:s29] =	ssyncadd.s32 $0xFFFFFFFF  }
0xb5: {  	_ =	strace $0x90000048  }
0xb6: {  	_ =	sfence  }
0xb7: {  	s30 =	sld [smem:$0x0];
	_ =	sdelay $0x2  }
0xb8: {  	s31 =	sshll.u32 s1, $0xD;
	s1 =	sshrl.u32 s1, $0x2  }
0xb9: {  	s3 =	sand.u32 $0x4000, s31;
	s1 =	sadd.s32 s1, s30  }
0xba: {  	s0 =	sor.u32 s3, s0;
	s1 =	sshll.u32 s1, $0x11  }
0xbb: {  	s0 =	sor.u32 s1, s0  }
0xbc: {  	s0 =	sadd.s32 $0x8F2B, s0  }
0xbd: {  	[sflag:s0] =	ssyncadd.remote.s32 $0x1  }
0xbe: {  	_ =	sfence.sel $0xFFFF  }
0xbf: {  	[dreg:$0x0] =	wrdreg $0xFFFFFFFF;
	(pc) =	sbr.abs _section_cstart, $3  }
0xc0: {  	[dreg:$0x1] =	wrdreg $0xFFFFFFFF  }
0xc1: {  	_ =	task.clear_ibuf [dreg:s6], $0x2FFFF;
	_ =	strace $0x9FFFFFFF  }
0xc2: {  	(tm) =	ssettm $0x7FFFFFFF  }
0xc3: {  	_ =	shalt  }
tec
execute0_lowered:
.L_overlay_start_1:
0x0: {  	(tag) =	ssettag $0x1  }
0x1: {  	s0 =	rddreg [dreg:$0x0]  }
0x2: {  	s1 =	rddreg [dreg:$0x1]  }
0x3: {  	s3 =	simm.s32 $0x0;
	s13 =	stileid.u32;
	s2 =	srdreg.scid  }
0x4: {  	s28 =	simm.s32 $0x80;
	s29 =	simm.s32 $0x180;
	s30 =	simm.s32 $0x6  }
0x5: {  	s31 =	simm.s32 $0x2A00;
	[smem:$0x7FF] =	sst s3;
	s5 =	smul.u32 $0x2800, s13  }
0x6: {  	s4 =	sadd.s32 $0x2CA00, s0;
	s2 =	sand.u32 $0x1, s2;
	s10 =	smul.u32 $0x50000, s13  }
0x7: {  	s6 =	sadd.s32 $0x19000, s0;
	s8 =	sadd.s32 $0x5600, s0;
	s22 =	smul.u32 $0x4E20, s13  }
0x8: {  	_ =	strace $0x80000047;
	s7 =	smul.u32 $0x28000, s2;
	s11 =	sshll.u32 s2, $0x4  }
0x9: {  	s24 =	ssub.s32 $0x2, s2;
	s19 =	smul.u32 $0x4E200, s2;
	s2 =	simm.s32 $0x3  }
0xa: {  	s9 =	sadd.s32 s5, s0;
	s11 =	sor.u32 s13, s11;
	s12 =	sshrl.u32 s24, $0x1  }
0xb: {  	s10 =	sshrl.u32 s10, $0x2;
	s5 =	sadd.s32 s5, s7;
	s11 =	smul.u32 $0x4E20, s11  }
0xc: {  	s25 =	ssub.s32 s24, s12;
	s26 =	sadd.s32 s10, s1;
	s9 =	sadd.s32 $0x54A00, s9  }
0xd: {  	s10 =	sshll.u32 s13, $0x6;
	s0 =	sadd.s32 s5, s0;
	[dreg:$0x3] =	wrdreg s26  }
0xe: {  	[dreg:$0x4] =	wrdreg s9;
	s7 =	sor.u32 $0x1C07, s10;
	s18 =	smax.u32 s25, $0x1  }
0xf: {  	s5 =	simm.s32 $0x2;
	s12 =	sshrl.u32 s11, $0x3;
	s0 =	sadd.s32 $0x7CA00, s0  }
0x10: {  	[dreg:$0x8] =	wrdreg s18;
	s16 =	sadd.s32 s6, s12;
	s17 =	sadd.s32 s8, s12  }
0x11: {  	[dreg:$0x7] =	wrdreg s0;
	s20 =	sadd.s32 $0xA, s12;
	s21 =	sadd.s32 $0x14, s12  }
0x12: {  	s24 =	sadd.s32 $0x9BA, s12;
	s0 =	sadd.s32 s22, s19;
	[dreg:$0x5] =	wrdreg s16  }
0x13: {  	s22 =	simm.s32 $0x7;
	[dreg:$0x6] =	wrdreg s17;
	s23 =	sadd.s32 s6, s20  }
0x14: {  	s13 =	sadd.s32 s8, s20;
	s14 =	sadd.s32 s6, s21;
	s15 =	sadd.s32 s8, s21  }
0x15: {  	s16 =	sadd.s32 s6, s24;
	s25 =	sadd.s32 $0x140, s0;
	s0 =	sadd.s32 $0xF0, s0  }
0x16: {  	s17 =	sadd.s32 s8, s24;
	s24 =	simm.s32 $0x5;
	[dreg:$0x9] =	wrdreg s23  }
0x17: {  	s26 =	sshrl.u32 s25, $0x3;
	s0 =	sshrl.u32 s0, $0x3;
	s23 =	simm.s32 $0x100  }
0x18: {  	s25 =	simm.s32 $0x50;
	s18 =	sadd.s32 s26, s8;
	s19 =	sadd.s32 s26, s6  }
0x19: {  	s20 =	sadd.s32 s0, s8;
	s21 =	sadd.s32 s0, s6;
	s26 =	simm.s32 $0x200  }
0x1a: {  	s0 =	simm.s32 $0x1;
	s6 =	simm.s32 $0x4;
	s8 =	simm.s32 $0x0  }
.LBB2_1:
0x1b: {  	s9 =	rddreg [dreg:$0x3]  }
0x1c: {  	s10 =	rddreg [dreg:$0x4];
	s9 =	sshrl.u32 s9, $0x3  }
0x1d: {  	[spmem:s9], [sflag:s7] =	dma.local [hbm:s10], $0x2800  }
0x1e: {  	_ =	swait.ge [sflag:s22], $0x2800  }
0x1f: {  	[sflag:s22] =	ssyncset.done $0x0  }
0x20: {  	[sflag:s22] =	ssyncadd.s32 $0xFFFFD800  }
0x21: {  	[bflag:$0x0] =	sbarrier.arrive $0xFFFF  }
0x22: {  	s12 =	rddreg [dreg:$0x5]  }
0x23: {  	[tilespmem:s3], [sflag:$0x5] =	stream.linear.gather [hbm4b:s12+s3], $0x50, $0x38;
	[tilespmem:$0x19200] =	vst v63  }
0x24: {  	s11 =	rddreg [dreg:$0x6]  }
0x25: {  	[tilespmem:s23], [sflag:$0x5] =	stream.linear.gather [hbm4b:s11+s3], $0x50, $0x38;
	[tilespmem:$0x19200] =	vst v63  }
0x26: {  	_ =	swait.ge [sflag:s24], $0x50  }
0x27: {  	[sflag:s24] =	ssyncset.done $0x0  }
0x28: {  	[sflag:s24] =	ssyncadd.s32 $0xFFFFFFB0  }
0x29: {  	_ =	swait.ge [sflag:s24], $0x50  }
0x2a: {  	[sflag:s24] =	ssyncset.done $0x0  }
0x2b: {  	[sflag:s24] =	ssyncadd.s32 $0xFFFFFFB0  }
0x2c: {  	[tilespmem:s26], [sflag:$0x1] =	stream.indirect.gather [hbm4b:s4+s25], $0x80, s3, s25, $0xb8;
	[tilespmem:$0x19200] =	vst v63  }
0x2d: {  	s12 =	rddreg [dreg:$0x9]  }
0x2e: {  	[tilespmem:s28], [sflag:$0x6] =	stream.linear.gather [hbm4b:s12+s3], $0x50, $0x38;
	[tilespmem:$0x19200] =	vst v63  }
0x2f: {  	_ = 	snop  }
0x30: {  	[tilespmem:s29], [sflag:$0x6] =	stream.linear.gather [hbm4b:s13+s3], $0x50, $0x38;
	[tilespmem:$0x19200] =	vst v63  }
0x31: {  	_ =	swait.ge [sflag:s30], $0x50  }
0x32: {  	[sflag:s30] =	ssyncset.done $0x0  }
0x33: {  	[sflag:s30] =	ssyncadd.s32 $0xFFFFFFB0  }
0x34: {  	_ =	swait.ge [sflag:s30], $0x50  }
0x35: {  	[sflag:s30] =	ssyncset.done $0x0  }
0x36: {  	[sflag:s30] =	ssyncadd.s32 $0xFFFFFFB0  }
0x37: {  	[tilespmem:s31], [sflag:$0x2] =	stream.indirect.gather [hbm4b:s4+s25], $0x80, s28, s25, $0xb8;
	[tilespmem:$0x19200] =	vst v63  }
0x38: {  	_ =	swait.ge [sflag:s0], $0x2800  }
0x39: {  	[sflag:s0] =	ssyncset.done $0x0  }
0x3a: {  	[sflag:s0] =	ssyncadd.s32 $0xFFFFD800  }
0x3b: {  	[spmem:s1] =	stream.indirect.scatter.add.f32 [tilespmem:s26], [sflag:$0x3], $0x80, s23, s25, $0xb8;
	[tilespmem:$0x19200] =	vst v63  }
0x3c: {  	_ = 	snop  }
0x3d: {  	[tilespmem:s3], [sflag:$0x5] =	stream.linear.gather [hbm4b:s14+s3], $0x50, $0x38;
	[tilespmem:$0x19200] =	vst v63  }
0x3e: {  	_ =	swait.ge [sflag:s2], $0x2800  }
0x3f: {  	[sflag:s2] =	ssyncset.done $0x0  }
0x40: {  	[sflag:s2] =	ssyncadd.s32 $0xFFFFD800  }
0x41: {  	[tilespmem:s23], [sflag:$0x5] =	stream.linear.gather [hbm4b:s15+s3], $0x50, $0x38;
	[tilespmem:$0x19200] =	vst v63  }
0x42: {  	_ =	swait.ge [sflag:s24], $0x50  }
0x43: {  	[sflag:s24] =	ssyncset.done $0x0  }
0x44: {  	[sflag:s24] =	ssyncadd.s32 $0xFFFFFFB0  }
0x45: {  	_ =	swait.ge [sflag:s24], $0x50  }
0x46: {  	[sflag:s24] =	ssyncset.done $0x0  }
0x47: {  	[sflag:s24] =	ssyncadd.s32 $0xFFFFFFB0  }
0x48: {  	[tilespmem:s26], [sflag:$0x1] =	stream.indirect.gather [hbm4b:s4+s25], $0x80, s3, s25, $0xb8;
	[tilespmem:$0x19200] =	vst v63  }
0x49: {  	_ =	swait.ge [sflag:s5], $0x2800  }
0x4a: {  	[sflag:s5] =	ssyncset.done $0x0  }
0x4b: {  	[sflag:s5] =	ssyncadd.s32 $0xFFFFD800  }
0x4c: {  	[spmem:s1] =	stream.indirect.scatter.add.f32 [tilespmem:s31], [sflag:$0x4], $0x80, s29, s25, $0xb8;
	[tilespmem:$0x19200] =	vst v63  }
0x4d: {  	s11 =	sadd.s32 $0x0, s21  }
0x4e: {  	[tilespmem:s28], [sflag:$0x6] =	stream.linear.gather [hbm4b:s11+s3], $0x50, $0x38;
	[tilespmem:$0x19200] =	vst v63  }
0x4f: {  	_ =	swait.ge [sflag:s6], $0x2800  }
0x50: {  	[sflag:s6] =	ssyncset.done $0x0  }
0x51: {  	s12 =	sadd.s32 $0x0, s20;
	[sflag:s6] =	ssyncadd.s32 $0xFFFFD800  }
0x52: {  	[tilespmem:s29], [sflag:$0x6] =	stream.linear.gather [hbm4b:s12+s3], $0x50, $0x38;
	[tilespmem:$0x19200] =	vst v63  }
0x53: {  	_ =	swait.ge [sflag:s30], $0x50  }
0x54: {  	[sflag:s30] =	ssyncset.done $0x0  }
0x55: {  	[sflag:s30] =	ssyncadd.s32 $0xFFFFFFB0  }
0x56: {  	_ =	swait.ge [sflag:s30], $0x50  }
0x57: {  	[sflag:s30] =	ssyncset.done $0x0  }
0x58: {  	[sflag:s30] =	ssyncadd.s32 $0xFFFFFFB0  }
0x59: {  	[tilespmem:s31], [sflag:$0x2] =	stream.indirect.gather [hbm4b:s4+s25], $0x80, s28, s25, $0xb8;
	[tilespmem:$0x19200] =	vst v63  }
0x5a: {  	_ =	swait.ge [sflag:s0], $0x2800  }
0x5b: {  	[sflag:s0] =	ssyncset.done $0x0  }
0x5c: {  	[sflag:s0] =	ssyncadd.s32 $0xFFFFD800  }
0x5d: {  	[spmem:s1] =	stream.indirect.scatter.add.f32 [tilespmem:s26], [sflag:$0x3], $0x80, s23, s25, $0xb8;
	[tilespmem:$0x19200] =	vst v63  }
0x5e: {  	s11 =	sadd.s32 $0x0, s19  }
0x5f: {  	[tilespmem:s3], [sflag:$0x5] =	stream.linear.gather [hbm4b:s11+s3], $0x50, $0x38;
	[tilespmem:$0x19200] =	vst v63  }
0x60: {  	_ =	swait.ge [sflag:s2], $0x2800  }
0x61: {  	[sflag:s2] =	ssyncset.done $0x0  }
0x62: {  	s12 =	sadd.s32 $0x0, s18;
	[sflag:s2] =	ssyncadd.s32 $0xFFFFD800  }
0x63: {  	[tilespmem:s23], [sflag:$0x5] =	stream.linear.gather [hbm4b:s12+s3], $0x50, $0x38;
	[tilespmem:$0x19200] =	vst v63  }
0x64: {  	_ =	swait.ge [sflag:s24], $0x50  }
0x65: {  	[sflag:s24] =	ssyncset.done $0x0  }
0x66: {  	[sflag:s24] =	ssyncadd.s32 $0xFFFFFFB0  }
0x67: {  	_ =	swait.ge [sflag:s24], $0x50  }
0x68: {  	[sflag:s24] =	ssyncset.done $0x0  }
0x69: {  	[sflag:s24] =	ssyncadd.s32 $0xFFFFFFB0  }
0x6a: {  	[tilespmem:s26], [sflag:$0x1] =	stream.indirect.gather [hbm4b:s4+s25], $0x80, s3, s25, $0xb8;
	[tilespmem:$0x19200] =	vst v63  }
0x6b: {  	_ =	swait.ge [sflag:s5], $0x2800  }
0x6c: {  	[sflag:s5] =	ssyncset.done $0x0  }
0x6d: {  	s10 =	simm.s32 $0x14;
	[sflag:s5] =	ssyncadd.s32 $0xFFFFD800  }
.LBB2_2:
0x6e: {  	[spmem:s1] =	stream.indirect.scatter.add.f32 [tilespmem:s31], [sflag:$0x4], $0x80, s29, s25, $0xb8;
	[tilespmem:$0x19200] =	vst v63  }
0x6f: {  	s11 =	smov.u32 s10  }
0x70: {  	p0 =	sne.s32 s10, $0x988;
	s10 =	sadd.s32 $0x14, s10;
	s12 =	sadd.s32 s11, s21  }
0x71: {  	[tilespmem:s28], [sflag:$0x6] =	stream.linear.gather [hbm4b:s12+s3], $0x50, $0x38;
	[tilespmem:$0x19200] =	vst v63  }
0x72: {  	_ =	swait.ge [sflag:s6], $0x2800  }
0x73: {  	[sflag:s6] =	ssyncset.done $0x0  }
0x74: {  	s12 =	sadd.s32 s11, s20;
	[sflag:s6] =	ssyncadd.s32 $0xFFFFD800  }
0x75: {  	[tilespmem:s29], [sflag:$0x6] =	stream.linear.gather [hbm4b:s12+s3], $0x50, $0x38;
	[tilespmem:$0x19200] =	vst v63  }
0x76: {  	_ =	swait.ge [sflag:s30], $0x50  }
0x77: {  	[sflag:s30] =	ssyncset.done $0x0  }
0x78: {  	[sflag:s30] =	ssyncadd.s32 $0xFFFFFFB0  }
0x79: {  	_ =	swait.ge [sflag:s30], $0x50  }
0x7a: {  	[sflag:s30] =	ssyncset.done $0x0  }
0x7b: {  	[sflag:s30] =	ssyncadd.s32 $0xFFFFFFB0  }
0x7c: {  	[tilespmem:s31], [sflag:$0x2] =	stream.indirect.gather [hbm4b:s4+s25], $0x80, s28, s25, $0xb8;
	[tilespmem:$0x19200] =	vst v63  }
0x7d: {  	_ =	swait.ge [sflag:s0], $0x2800  }
0x7e: {  	[sflag:s0] =	ssyncset.done $0x0  }
0x7f: {  	[sflag:s0] =	ssyncadd.s32 $0xFFFFD800  }
0x80: {  	[spmem:s1] =	stream.indirect.scatter.add.f32 [tilespmem:s26], [sflag:$0x3], $0x80, s23, s25, $0xb8;
	[tilespmem:$0x19200] =	vst v63  }
0x81: {  	s12 =	sadd.s32 s11, s19  }
0x82: {  	[tilespmem:s3], [sflag:$0x5] =	stream.linear.gather [hbm4b:s12+s3], $0x50, $0x38;
	[tilespmem:$0x19200] =	vst v63  }
0x83: {  	_ =	swait.ge [sflag:s2], $0x2800  }
0x84: {  	[sflag:s2] =	ssyncset.done $0x0  }
0x85: {  	s11 =	sadd.s32 s11, s18;
	[sflag:s2] =	ssyncadd.s32 $0xFFFFD800  }
0x86: {  	[tilespmem:s23], [sflag:$0x5] =	stream.linear.gather [hbm4b:s11+s3], $0x50, $0x38;
	[tilespmem:$0x19200] =	vst v63  }
0x87: {  	_ =	swait.ge [sflag:s24], $0x50  }
0x88: {  	[sflag:s24] =	ssyncset.done $0x0  }
0x89: {  	[sflag:s24] =	ssyncadd.s32 $0xFFFFFFB0  }
0x8a: {  	_ =	swait.ge [sflag:s24], $0x50  }
0x8b: {  	[sflag:s24] =	ssyncset.done $0x0  }
.Ltmp0:
0x8c: {  	[sflag:s24] =	ssyncadd.s32 $0xFFFFFFB0;
	(pc) =	sbr.rel @p0 .LBB2_2-.Ltmp0, $4  }
0x8d: {  	[tilespmem:s26], [sflag:$0x1] =	stream.indirect.gather [hbm4b:s4+s25], $0x80, s3, s25, $0xb8;
	[tilespmem:$0x19200] =	vst v63  }
0x8e: {  	_ =	swait.ge [sflag:s5], $0x2800  }
0x8f: {  	[sflag:s5] =	ssyncset.done $0x0  }
0x90: {  	[sflag:s5] =	ssyncadd.s32 $0xFFFFD800  }
0x91: {  	[spmem:s1] =	stream.indirect.scatter.add.f32 [tilespmem:s31], [sflag:$0x4], $0x80, s29, s25, $0xb8;
	[tilespmem:$0x19200] =	vst v63  }
0x92: {  	_ = 	snop  }
0x93: {  	[tilespmem:s28], [sflag:$0x6] =	stream.linear.gather [hbm4b:s16+s3], $0x50, $0x38;
	[tilespmem:$0x19200] =	vst v63  }
0x94: {  	_ =	swait.ge [sflag:s6], $0x2800  }
0x95: {  	[sflag:s6] =	ssyncset.done $0x0  }
0x96: {  	[sflag:s6] =	ssyncadd.s32 $0xFFFFD800  }
0x97: {  	[tilespmem:s29], [sflag:$0x6] =	stream.linear.gather [hbm4b:s17+s3], $0x50, $0x38;
	[tilespmem:$0x19200] =	vst v63  }
0x98: {  	_ =	swait.ge [sflag:s30], $0x50  }
0x99: {  	[sflag:s30] =	ssyncset.done $0x0  }
0x9a: {  	[sflag:s30] =	ssyncadd.s32 $0xFFFFFFB0  }
0x9b: {  	_ =	swait.ge [sflag:s30], $0x50  }
0x9c: {  	[sflag:s30] =	ssyncset.done $0x0  }
0x9d: {  	[sflag:s30] =	ssyncadd.s32 $0xFFFFFFB0  }
0x9e: {  	[tilespmem:s31], [sflag:$0x2] =	stream.indirect.gather [hbm4b:s4+s25], $0x80, s28, s25, $0xb8;
	[tilespmem:$0x19200] =	vst v63  }
0x9f: {  	_ =	swait.ge [sflag:s0], $0x2800  }
0xa0: {  	[sflag:s0] =	ssyncset.done $0x0  }
0xa1: {  	[sflag:s0] =	ssyncadd.s32 $0xFFFFD800  }
0xa2: {  	[spmem:s1] =	stream.indirect.scatter.add.f32 [tilespmem:s26], [sflag:$0x3], $0x80, s23, s25, $0xb8;
	[tilespmem:$0x19200] =	vst v63  }
0xa3: {  	_ =	swait.ge [sflag:s5], $0x2800  }
0xa4: {  	[sflag:s5] =	ssyncset.done $0x0  }
0xa5: {  	[sflag:s5] =	ssyncadd.s32 $0xFFFFD800  }
0xa6: {  	[spmem:s1] =	stream.indirect.scatter.add.f32 [tilespmem:s31], [sflag:$0x4], $0x80, s29, s25, $0xb8;
	[tilespmem:$0x19200] =	vst v63  }
0xa7: {  	_ =	swait.ge [sflag:s2], $0x2800  }
0xa8: {  	[sflag:s2] =	ssyncset.done $0x0  }
0xa9: {  	[sflag:s2] =	ssyncadd.s32 $0xFFFFD800  }
0xaa: {  	_ =	swait.ge [sflag:s6], $0x2800  }
0xab: {  	[sflag:s6] =	ssyncset.done $0x0  }
0xac: {  	[sflag:s6] =	ssyncadd.s32 $0xFFFFD800  }
0xad: {  	[bflag:$0x0] =	sbarrier.arrive $0xFFFF  }
0xae: {  	s10 =	rddreg [dreg:$0x7]  }
0xaf: {  	[hbm:s10], [sflag:s7] =	dma.local [spmem:s9], $0x2800  }
0xb0: {  	_ =	swait.ge [sflag:s22], $0x2800  }
0xb1: {  	s8 =	sadd.s32 $0x1, s8;
	s12 =	rddreg [dreg:$0x8]  }
0xb2: {  	p0 =	sne.s32 s8, s12  }
.Ltmp1:
0xb3: {  	_ = 	snop;
	(pc) =	sbr.rel @p0 .LBB2_1-.Ltmp1, $3  }
0xb4: {  	_ =	sdelay $0x1  }
0xb5: {  	[sflag:s22] =	ssyncset.done $0x0  }
0xb6: {  	[sflag:s22] =	ssyncadd.s32 $0xFFFFD800  }
0xb7: {  	_ =	sfence.sel $0x180000  }
0xb8: {  	[bflag:$0x0] =	sbarrier.arrive $0xFFFF  }
0xb9: {  	_ =	strace $0x90000047  }
0xba: {  	s0 =	stileid.u32;
	[bflag:$0x2] =	sbarrier.arrive $0xFFFF  }
0xbb: {  	p0 =	sne.s32 s0, $0x0;
	s0 =	rddreg [dreg:$0x2]  }
0xbc: {  	s0 =	sadd.s32 @!p0 $0x100000, s0  }
0xbd: {  	[sflag:s0] =	ssyncadd.tile.s32 @!p0 $0x1;
	_ =	shalt  }
.Lfunc_end2:
_tile_overlayer_lowered:
.L_overlay_start_2:
0xbe: {  	(tag) =	ssettag $0x2  }
0xbf: {  	s0 =	rddreg [dreg:$0x0];
	s2 =	stileid.u32  }
0xc0: {  	s1 =	rddreg [dreg:$0x1];
	p0 =	sne.s32 s2, $0x0  }
0xc1: {  	s3 =	rddreg [dreg:$0x2];
	[bflag:$0x3] =	sbarrier.arrive $0xFFFF;
	s2 =	simm.s32 @!p0 $0x1C07  }
0xc2: {  	[timem:s3], [sflag:s2] =	dma.local @!p0 [hbm:s0], s1  }
0xc3: {  	s0 =	simm.s32 @!p0 $0x7  }
0xc4: {  	_ =	swait.ge @!p0 [sflag:s0], s1  }
0xc5: {  	s1 =	ssub.s32 @!p0 $0x0, s1;
	[sflag:s0] =	ssyncset.done @!p0 $0x0  }
0xc6: {  	[sflag:s0] =	ssyncadd.s32 @!p0 s1  }
0xc7: {  	[bflag:$0x3] =	sbarrier.arrive $0xFFFF  }
0xc8: {  	_ =	shalt  }

</sc_bundles>
